<compile_context>
chip_gen: v7x
topology: tpu7x:2x2x1
jax: 0.10.2.dev20260603
libtpu: 0.0.44.dev20260713+nightly
codegen_flags: <defaults>
</compile_context>

<pallas_src>
import jax
import jax.numpy as jnp
from jax import lax
from jax.experimental import pallas as pl
from jax.experimental.pallas import tpu as pltpu
from jax.experimental.pallas import tpu_sc as plsc

S = 2048
H = 16
MAX_REL = 32
NUM_TABLE_ROWS = 2 * MAX_REL + 1

NC = 2
NS = 16
NW = NC * NS

G_COLS = 2 * S
STRIP = G_COLS // NW
CHUNKS = STRIP // 16


def _sc_grevt_body(table_t_hbm, grevt_hbm, table_t_v, strip_v):
    wid = lax.axis_index("s") * NC + lax.axis_index("c")
    t_base = wid * STRIP

    pltpu.sync_copy(table_t_hbm, table_t_v)

    def build(n, carry):
        h = n // CHUNKS
        t0 = t_base + (n % CHUNKS) * 16
        idx = jnp.clip((S - 1 + MAX_REL) - t0 - lax.iota(jnp.int32, 16), 0, 2 * MAX_REL)
        vals = plsc.load_gather(table_t_v, [jnp.zeros((16,), jnp.int32) + h, idx])
        strip_v[h, pl.ds((n % CHUNKS) * 16, 16)] = vals
        return carry

    lax.fori_loop(0, H * CHUNKS, build, 0)

    pltpu.sync_copy(
        strip_v.at[pl.ds(0, 8), :], grevt_hbm.at[pl.ds(0, 8), pl.ds(t_base, STRIP)]
    )
    pltpu.sync_copy(
        strip_v.at[pl.ds(8, 8), :], grevt_hbm.at[pl.ds(8, 8), pl.ds(t_base, STRIP)]
    )


GS_COLS = 3968


def _tc_emit_body(grevt_ref, out_ref, gshift_ref, sem):
    ROWS_PER_RES = S // 128

    def build_and_emit(p, carry):
        rolled = pltpu.roll(grevt_ref[:, :], lax.rem(G_COLS - p, G_COLS), 1)
        gshift_ref[p] = rolled[:, :GS_COLS]

        for k in range(ROWS_PER_RES):
            base = 128 * k
            i = S - 1 - p - base
            pltpu.make_async_copy(
                gshift_ref.at[p, :, pl.ds(base, S)], out_ref.at[i], sem.at[k % 8]
            ).start()

        @pl.when(p >= 3)
        def _drain_prev():
            for k in range(ROWS_PER_RES):
                pltpu.make_async_copy(
                    gshift_ref.at[0, :, pl.ds(0, S)], out_ref.at[0], sem.at[k % 8]
                ).wait()

        return carry

    lax.fori_loop(0, 128, build_and_emit, 0)

    def drain(s, carry):
        for k in range(3 * ROWS_PER_RES):
            pltpu.make_async_copy(
                gshift_ref.at[0, :, pl.ds(0, S)], out_ref.at[0], sem.at[k % 8]
            ).wait()
        return carry

    lax.fori_loop(0, 1, drain, 0)


def kernel(seq_len, relative_attention_bias):
    table_t = relative_attention_bias.T

    mesh = plsc.VectorSubcoreMesh(core_axis_name="c", subcore_axis_name="s")
    grevt = pl.kernel(
        _sc_grevt_body,
        mesh=mesh,
        out_type=jax.ShapeDtypeStruct((H, G_COLS), jnp.float32),
        scratch_types=[
            pltpu.VMEM((H, NUM_TABLE_ROWS), jnp.float32),
            pltpu.VMEM((H, STRIP), jnp.float32),
        ],
        compiler_params=pltpu.CompilerParams(
            use_tc_tiling_on_sc=True, needs_layout_passes=False
        ),
    )(table_t)

    out_ihj = pl.pallas_call(
        _tc_emit_body,
        out_shape=jax.ShapeDtypeStruct((S, H, S), jnp.float32),
        in_specs=[pl.BlockSpec(memory_space=pltpu.VMEM)],
        out_specs=pl.BlockSpec(memory_space=pl.ANY),
        scratch_shapes=[
            pltpu.VMEM((128, H, GS_COLS), jnp.float32),
            pltpu.SemaphoreType.DMA((8,)),
        ],
        compiler_params=pltpu.CompilerParams(
            vmem_limit_bytes=64 * 1024 * 1024
        ),
    )(grevt)
    return out_ihj.transpose(0, 2, 1)

# --- scband reference (transcript-rebuilt; emitter-appended) ---
"""Pipeline reference for scband-relative-positional-encoding-56573309224063 (READ-ONLY COPY).

The authoritative reference and input builder live on the scoring server;
editing this copy changes nothing except your own understanding.
"""

import jax, jax.numpy as jnp
import numpy as np

D_MODEL = 1024
MAX_REL = 32
NUM_HEADS = 16
SEQ_LEN = 2048

def setup_inputs(seed: int = 0) -> dict:
    key = jax.random.key(seed)
    relative_attention_bias = jax.random.normal(key, (2 * MAX_REL + 1, NUM_HEADS), dtype=jnp.float32)
    return {"seq_len": SEQ_LEN, "relative_attention_bias": relative_attention_bias}

def reference(seq_len, relative_attention_bias):
    positions = jnp.arange(SEQ_LEN) + 0 * seq_len
    relative_positions = positions[:, None] - positions[None, :]
    relative_positions = jnp.clip(relative_positions, -MAX_REL, MAX_REL)
    relative_positions = relative_positions + MAX_REL
    # embedding gather: [S, S] indices into [2*MAX_REL+1, H] table -> [S, S, H]
    return jnp.take(relative_attention_bias, relative_positions, axis=0)

if __name__ == "__main__":
    import jax
    _d = setup_inputs()
    print(jax.jit(kernel)(*tuple(_d.values())))

</pallas_src>

<mosaic_0001>
#map = affine_map<(d0, d1) -> (0, 0)>
module attributes {stable_mosaic.version = 14 : i64} {
  func.func @_sc_grevt_body(%arg0: i32, %arg1: i32, %arg2: memref<16x65xf32, #tpu.memory_space<hbm>>, %arg3: memref<16x4096xf32, #tpu.memory_space<hbm>>, %arg4: memref<16x65xf32, #tpu.memory_space<vmem>>, %arg5: memref<16x128xf32, #tpu.memory_space<vmem>>) attributes {dimension_semantics = [#tpu.dimension_semantics<core_parallel>, #tpu.dimension_semantics<subcore_parallel>], iteration_bounds = array<i64: 2, 16>, scalar_prefetch = 0 : i64, scratch_operands = 2 : i64, tpu.core_type = #tpu.core_type<sc_vector_subcore>, window_params = [{transform_indices = #map}, {transform_indices = #map}]} {
    %mul3A = arith.constant 2 : i32
    %mul3A_0 = arith.muli %arg1, %mul3A : i32
    %add3A = arith.addi %mul3A_0, %arg0 : i32
    %mul3A_1 = arith.constant 128 : i32
    %mul3A_2 = arith.muli %add3A, %mul3A_1 : i32
    "tpu.region"() ({
      %run_scoped3A = tpu.sem_alloc : memref<!tpu.dma_semaphore, #tpu.memory_space<semaphore_mem>>
      tpu.enqueue_dma source(%arg2 : memref<16x65xf32, #tpu.memory_space<hbm>>) target(%arg4 : memref<16x65xf32, #tpu.memory_space<vmem>>) target_semaphore(%run_scoped3A : memref<!tpu.dma_semaphore, #tpu.memory_space<semaphore_mem>>)
      tpu.wait_dma2 semaphore(%run_scoped3A : memref<!tpu.dma_semaphore, #tpu.memory_space<semaphore_mem>>) src(%arg2 : memref<16x65xf32, #tpu.memory_space<hbm>>) dst(%arg4 : memref<16x65xf32, #tpu.memory_space<vmem>>)
      tpu.yield
    }) : () -> ()
    %scan3A = arith.constant 0 : i32
    %scan3A_3 = arith.constant 0 : i32
    %scan3A_4 = arith.constant 128 : i32
    %scan3A_5 = arith.addi %scan3A_3, %scan3A_4 : i32
    %scan3A_6 = arith.constant 1 : i32
    scf.for %scan3A_8 = %scan3A_3 to %scan3A_5 step %scan3A_6  : i32 {
      %jit3A = arith.constant 8 : i32
      %div3A = arith.divsi %scan3A_8, %jit3A : i32
      %sign3A = arith.constant 0 : i32
      %sign3A_9 = arith.cmpi sgt, %scan3A_8, %sign3A : i32
      %sign3A_10 = arith.extui %sign3A_9 : i1 to i32
      %sign3A_11 = arith.constant 0 : i32
      %sign3A_12 = arith.cmpi slt, %scan3A_8, %sign3A_11 : i32
      %sign3A_13 = arith.extui %sign3A_12 : i1 to i32
      %sign3A_14 = arith.subi %sign3A_10, %sign3A_13 : i32
      %sign3A_15 = arith.constant 0 : i32
      %sign3A_16 = arith.cmpi sgt, %jit3A, %sign3A_15 : i32
      %sign3A_17 = arith.extui %sign3A_16 : i1 to i32
      %sign3A_18 = arith.constant 0 : i32
      %sign3A_19 = arith.cmpi slt, %jit3A, %sign3A_18 : i32
      %sign3A_20 = arith.extui %sign3A_19 : i1 to i32
      %sign3A_21 = arith.subi %sign3A_17, %sign3A_20 : i32
      %ne3A = arith.cmpi ne, %sign3A_14, %sign3A_21 : i32
      %rem3A = arith.remsi %scan3A_8, %jit3A : i32
      %ne3A_22 = arith.constant 0 : i32
      %ne3A_23 = arith.cmpi ne, %rem3A, %ne3A_22 : i32
      %and3A = arith.andi %ne3A, %ne3A_23 : i1
      %sub3A = arith.constant 1 : i32
      %sub3A_24 = arith.subi %div3A, %sub3A : i32
      %select_n3A = arith.select %and3A, %sub3A_24, %div3A : i32
      %jit3A_25 = arith.constant 8 : i32
      %eq3A = arith.constant 0 : i32
      %eq3A_26 = arith.cmpi eq, %jit3A_25, %eq3A : i32
      %jit3A_27 = arith.constant 1 : i32
      %select_n3A_28 = arith.select %eq3A_26, %jit3A_27, %jit3A_25 : i32
      %rem3A_29 = arith.remsi %scan3A_8, %select_n3A_28 : i32
      %ne3A_30 = arith.constant 0 : i32
      %ne3A_31 = arith.cmpi ne, %rem3A_29, %ne3A_30 : i32
      %lt3A = arith.constant 0 : i32
      %lt3A_32 = arith.cmpi slt, %rem3A_29, %lt3A : i32
      %lt3A_33 = arith.constant 0 : i32
      %lt3A_34 = arith.cmpi slt, %select_n3A_28, %lt3A_33 : i32
      %ne3A_35 = arith.xori %lt3A_32, %lt3A_34 : i1
      %and3A_36 = arith.andi %ne3A_35, %ne3A_31 : i1
      %add3A_37 = arith.addi %rem3A_29, %select_n3A_28 : i32
      %select_n3A_38 = arith.select %and3A_36, %add3A_37, %rem3A_29 : i32
      %mul3A_39 = arith.constant 16 : i32
      %mul3A_40 = arith.muli %select_n3A_38, %mul3A_39 : i32
      %add3A_41 = arith.addi %mul3A_2, %mul3A_40 : i32
      %sub3A_42 = arith.constant 2079 : i32
      %sub3A_43 = arith.subi %sub3A_42, %add3A_41 : i32
      %iota3A = tpu.iota {dimensions = array<i32: 0>} : vector<16xi32>
      %sub3A_44 = vector.broadcast %sub3A_43 : i32 to vector<16xi32>
      %sub3A_45 = arith.subi %sub3A_44, %iota3A : vector<16xi32>
      %jit3A_46 = arith.constant 0 : i32
      %jit3A_47 = arith.constant 64 : i32
      %max3A = vector.broadcast %jit3A_46 : i32 to vector<16xi32>
      %max3A_48 = arith.maxsi %max3A, %sub3A_45 : vector<16xi32>
      %min3A = vector.broadcast %jit3A_47 : i32 to vector<16xi32>
      %min3A_49 = arith.minsi %min3A, %max3A_48 : vector<16xi32>
      %broadcast_in_dim3A = arith.constant 0 : i32
      %broadcast_in_dim3A_50 = vector.broadcast %broadcast_in_dim3A : i32 to vector<16xi32>
      %add3A_51 = vector.broadcast %select_n3A : i32 to vector<16xi32>
      %add3A_52 = arith.addi %broadcast_in_dim3A_50, %add3A_51 : vector<16xi32>
      %gather3A = tpu.vector_load_idx %arg4[%add3A_52, %min3A_49] : memref<16x65xf32, #tpu.memory_space<vmem>>[vector<16xi32>, vector<16xi32>], vector<16xf32>,
      %jit3A_53 = arith.constant 8 : i32
      %eq3A_54 = arith.constant 0 : i32
      %eq3A_55 = arith.cmpi eq, %jit3A_53, %eq3A_54 : i32
      %jit3A_56 = arith.constant 1 : i32
      %select_n3A_57 = arith.select %eq3A_55, %jit3A_56, %jit3A_53 : i32
      %rem3A_58 = arith.remsi %scan3A_8, %select_n3A_57 : i32
      %ne3A_59 = arith.constant 0 : i32
      %ne3A_60 = arith.cmpi ne, %rem3A_58, %ne3A_59 : i32
      %lt3A_61 = arith.constant 0 : i32
      %lt3A_62 = arith.cmpi slt, %rem3A_58, %lt3A_61 : i32
      %lt3A_63 = arith.constant 0 : i32
      %lt3A_64 = arith.cmpi slt, %select_n3A_57, %lt3A_63 : i32
      %ne3A_65 = arith.xori %lt3A_62, %lt3A_64 : i1
      %and3A_66 = arith.andi %ne3A_65, %ne3A_60 : i1
      %add3A_67 = arith.addi %rem3A_58, %select_n3A_57 : i32
      %select_n3A_68 = arith.select %and3A_66, %add3A_67, %rem3A_58 : i32
      %mul3A_69 = arith.constant 16 : i32
      %mul3A_70 = arith.muli %select_n3A_68, %mul3A_69 : i32
      %swap3A = arith.index_cast %select_n3A : i32 to index
      %swap3A_71 = arith.index_cast %mul3A_70 : i32 to index
      %swap3A_72 = tpu.vector_load %arg5[%swap3A, %swap3A_71] {strides = array<i32>} : memref<16x128xf32, #tpu.memory_space<vmem>>, vector<16xf32>,
      tpu.vector_store %arg5[%swap3A, %swap3A_71], %gather3A {strides = array<i32>} : memref<16x128xf32, #tpu.memory_space<vmem>>, vector<16xf32>,
    }
    %scan3A_7 = arith.constant 128 : i32
    "tpu.region"() ({
      %run_scoped3A = tpu.sem_alloc : memref<!tpu.dma_semaphore, #tpu.memory_space<semaphore_mem>>
      %dma_start3A = arith.constant 0 : i32
      %dma_start3A_8 = arith.constant 0 : i32
      %dma_start3A_9 = tpu.memref_slice %arg5[%dma_start3A, %dma_start3A_8] : memref<16x128xf32, #tpu.memory_space<vmem>> -> memref<8x128xf32, #tpu.memory_space<vmem>>
      %dma_start3A_10 = arith.constant 0 : i32
      %dma_start3A_11 = tpu.memref_slice %arg3[%dma_start3A_10, %mul3A_2] : memref<16x4096xf32, #tpu.memory_space<hbm>> -> memref<8x128xf32, #tpu.memory_space<hbm>>
      %dma_start3A_12 = arith.constant 0 : i32
      %dma_start3A_13 = tpu.memref_slice %arg3[%dma_start3A_12, %mul3A_2] : memref<16x4096xf32, #tpu.memory_space<hbm>> -> memref<8x128xf32, #tpu.memory_space<hbm>>
      %dma_start3A_14 = arith.constant 0 : i32
      %dma_start3A_15 = arith.constant 0 : i32
      %dma_start3A_16 = tpu.memref_slice %arg5[%dma_start3A_14, %dma_start3A_15] : memref<16x128xf32, #tpu.memory_space<vmem>> -> memref<8x128xf32, #tpu.memory_space<vmem>>
      tpu.enqueue_dma source(%dma_start3A_16 : memref<8x128xf32, #tpu.memory_space<vmem>>) target(%dma_start3A_13 : memref<8x128xf32, #tpu.memory_space<hbm>>) target_semaphore(%run_scoped3A : memref<!tpu.dma_semaphore, #tpu.memory_space<semaphore_mem>>)
      %dma_wait3A = arith.constant 0 : i32
      %dma_wait3A_17 = arith.constant 0 : i32
      %dma_wait3A_18 = tpu.memref_slice %arg5[%dma_wait3A, %dma_wait3A_17] : memref<16x128xf32, #tpu.memory_space<vmem>> -> memref<8x128xf32, #tpu.memory_space<vmem>>
      %dma_wait3A_19 = arith.constant 0 : i32
      %dma_wait3A_20 = tpu.memref_slice %arg3[%dma_wait3A_19, %mul3A_2] : memref<16x4096xf32, #tpu.memory_space<hbm>> -> memref<8x128xf32, #tpu.memory_space<hbm>>
      %dma_wait3A_21 = arith.constant 0 : i32
      %dma_wait3A_22 = tpu.memref_slice %arg3[%dma_wait3A_21, %mul3A_2] : memref<16x4096xf32, #tpu.memory_space<hbm>> -> memref<8x128xf32, #tpu.memory_space<hbm>>
      %dma_wait3A_23 = arith.constant 0 : i32
      %dma_wait3A_24 = arith.constant 0 : i32
      %dma_wait3A_25 = tpu.memref_slice %arg5[%dma_wait3A_23, %dma_wait3A_24] : memref<16x128xf32, #tpu.memory_space<vmem>> -> memref<8x128xf32, #tpu.memory_space<vmem>>
      tpu.wait_dma2 semaphore(%run_scoped3A : memref<!tpu.dma_semaphore, #tpu.memory_space<semaphore_mem>>) src(%dma_wait3A_25 : memref<8x128xf32, #tpu.memory_space<vmem>>) dst(%dma_wait3A_22 : memref<8x128xf32, #tpu.memory_space<hbm>>)
      tpu.yield
    }) : () -> ()
    "tpu.region"() ({
      %run_scoped3A = tpu.sem_alloc : memref<!tpu.dma_semaphore, #tpu.memory_space<semaphore_mem>>
      %dma_start3A = arith.constant 8 : i32
      %dma_start3A_8 = arith.constant 0 : i32
      %dma_start3A_9 = tpu.memref_slice %arg5[%dma_start3A, %dma_start3A_8] : memref<16x128xf32, #tpu.memory_space<vmem>> -> memref<8x128xf32, #tpu.memory_space<vmem>>
      %dma_start3A_10 = arith.constant 8 : i32
      %dma_start3A_11 = tpu.memref_slice %arg3[%dma_start3A_10, %mul3A_2] : memref<16x4096xf32, #tpu.memory_space<hbm>> -> memref<8x128xf32, #tpu.memory_space<hbm>>
      %dma_start3A_12 = arith.constant 8 : i32
      %dma_start3A_13 = tpu.memref_slice %arg3[%dma_start3A_12, %mul3A_2] : memref<16x4096xf32, #tpu.memory_space<hbm>> -> memref<8x128xf32, #tpu.memory_space<hbm>>
      %dma_start3A_14 = arith.constant 8 : i32
      %dma_start3A_15 = arith.constant 0 : i32
      %dma_start3A_16 = tpu.memref_slice %arg5[%dma_start3A_14, %dma_start3A_15] : memref<16x128xf32, #tpu.memory_space<vmem>> -> memref<8x128xf32, #tpu.memory_space<vmem>>
      tpu.enqueue_dma source(%dma_start3A_16 : memref<8x128xf32, #tpu.memory_space<vmem>>) target(%dma_start3A_13 : memref<8x128xf32, #tpu.memory_space<hbm>>) target_semaphore(%run_scoped3A : memref<!tpu.dma_semaphore, #tpu.memory_space<semaphore_mem>>)
      %dma_wait3A = arith.constant 8 : i32
      %dma_wait3A_17 = arith.constant 0 : i32
      %dma_wait3A_18 = tpu.memref_slice %arg5[%dma_wait3A, %dma_wait3A_17] : memref<16x128xf32, #tpu.memory_space<vmem>> -> memref<8x128xf32, #tpu.memory_space<vmem>>
      %dma_wait3A_19 = arith.constant 8 : i32
      %dma_wait3A_20 = tpu.memref_slice %arg3[%dma_wait3A_19, %mul3A_2] : memref<16x4096xf32, #tpu.memory_space<hbm>> -> memref<8x128xf32, #tpu.memory_space<hbm>>
      %dma_wait3A_21 = arith.constant 8 : i32
      %dma_wait3A_22 = tpu.memref_slice %arg3[%dma_wait3A_21, %mul3A_2] : memref<16x4096xf32, #tpu.memory_space<hbm>> -> memref<8x128xf32, #tpu.memory_space<hbm>>
      %dma_wait3A_23 = arith.constant 8 : i32
      %dma_wait3A_24 = arith.constant 0 : i32
      %dma_wait3A_25 = tpu.memref_slice %arg5[%dma_wait3A_23, %dma_wait3A_24] : memref<16x128xf32, #tpu.memory_space<vmem>> -> memref<8x128xf32, #tpu.memory_space<vmem>>
      tpu.wait_dma2 semaphore(%run_scoped3A : memref<!tpu.dma_semaphore, #tpu.memory_space<semaphore_mem>>) src(%dma_wait3A_25 : memref<8x128xf32, #tpu.memory_space<vmem>>) dst(%dma_wait3A_22 : memref<8x128xf32, #tpu.memory_space<hbm>>)
      tpu.yield
    }) : () -> ()
    return
  }
}

module attributes {stable_mosaic.version = 14 : i64} {
  func.func @_tc_emit_body(%arg0: memref<16x4096xf32, #tpu.memory_space<vmem>>, %arg1: memref<2048x16x2048xf32, #tpu.memory_space<any>>, %arg2: memref<128x16x3968xf32, #tpu.memory_space<vmem>>, %arg3: memref<8x!tpu.dma_semaphore, #tpu.memory_space<semaphore_mem>>) attributes {dimension_semantics = [], scalar_prefetch = 0 : i64, scratch_operands = 2 : i64, tpu.core_type = #tpu.core_type<tc>} {
    %scan3A = arith.constant 0 : i32
    %scan3A_0 = arith.constant 128 : i32
    %scan3A_1 = arith.addi %scan3A, %scan3A_0 : i32
    %scan3A_2 = arith.constant 1 : i32
    scf.for %scan3A_628 = %scan3A to %scan3A_1 step %scan3A_2  : i32 {
      %get3A = arith.constant 0 : index
      %get3A_629 = arith.constant 0 : index
      %get3A_630 = vector.load %arg0[%get3A, %get3A_629] : memref<16x4096xf32, #tpu.memory_space<vmem>>, vector<16x4096xf32>
      %sub3A = arith.constant 4096 : i32
      %sub3A_631 = arith.subi %sub3A, %scan3A_628 : i32
      %rem3A = arith.constant 4096 : i32
      %rem3A_632 = arith.remsi %sub3A_631, %rem3A : i32
      %roll3A = tpu.dynamic_rotate %get3A_630 by %rem3A_632 dim 1 : vector<16x4096xf32>, i32 -> vector<16x4096xf32>
      %slice3A = vector.extract_strided_slice %roll3A {offsets = [0, 0], sizes = [16, 3968], strides = [1, 1]} : vector<16x4096xf32> to vector<16x3968xf32>
      %swap3A = arith.index_cast %scan3A_628 : i32 to index
      %swap3A_633 = arith.constant 0 : index
      %swap3A_634 = arith.constant 0 : index
      %swap3A_635 = vector.load %arg2[%swap3A, %swap3A_633, %swap3A_634] : memref<128x16x3968xf32, #tpu.memory_space<vmem>>, vector<1x16x3968xf32>
      %swap3A_636 = vector.shape_cast %swap3A_635 : vector<1x16x3968xf32> to vector<16x3968xf32>
      %swap3A_637 = vector.shape_cast %slice3A : vector<16x3968xf32> to vector<1x16x3968xf32>
      tpu.vector_store %arg2[%swap3A, %swap3A_633, %swap3A_634], %swap3A_637 {strides = array<i32>} : memref<128x16x3968xf32, #tpu.memory_space<vmem>>, vector<1x16x3968xf32>,
      %sub3A_638 = arith.constant 2047 : i32
      %sub3A_639 = arith.subi %sub3A_638, %scan3A_628 : i32
      %sub3A_640 = arith.constant 0 : i32
      %sub3A_641 = arith.subi %sub3A_639, %sub3A_640 : i32
      %dma_start3A = arith.constant 0 : i32
      %dma_start3A_642 = tpu.memref_slice %arg3[%dma_start3A] : memref<8x!tpu.dma_semaphore, #tpu.memory_space<semaphore_mem>> -> memref<1x!tpu.dma_semaphore, #tpu.memory_space<semaphore_mem>>
      %dma_start3A_643 = tpu.memref_squeeze %dma_start3A_642 : memref<1x!tpu.dma_semaphore, #tpu.memory_space<semaphore_mem>> -> memref<!tpu.dma_semaphore, #tpu.memory_space<semaphore_mem>>
      %dma_start3A_644 = arith.constant 0 : i32
      %dma_start3A_645 = arith.constant 0 : i32
      %dma_start3A_646 = tpu.memref_slice %arg1[%sub3A_641, %dma_start3A_644, %dma_start3A_645] : memref<2048x16x2048xf32, #tpu.memory_space<any>> -> memref<1x16x2048xf32, #tpu.memory_space<any>>
      %dma_start3A_647 = tpu.memref_squeeze %dma_start3A_646 : memref<1x16x2048xf32, #tpu.memory_space<any>> -> memref<16x2048xf32, #tpu.memory_space<any>>
      %dma_start3A_648 = arith.constant 0 : i32
      %dma_start3A_649 = arith.constant 0 : i32
      %dma_start3A_650 = tpu.memref_slice %arg2[%scan3A_628, %dma_start3A_648, %dma_start3A_649] : memref<128x16x3968xf32, #tpu.memory_space<vmem>> -> memref<1x16x2048xf32, #tpu.memory_space<vmem>>
      %dma_start3A_651 = tpu.memref_squeeze %dma_start3A_650 : memref<1x16x2048xf32, #tpu.memory_space<vmem>> -> memref<16x2048xf32, #tpu.memory_space<vmem>>
      tpu.enqueue_dma source(%dma_start3A_651 : memref<16x2048xf32, #tpu.memory_space<vmem>>) target(%dma_start3A_647 : memref<16x2048xf32, #tpu.memory_space<any>>) target_semaphore(%dma_start3A_643 : memref<!tpu.dma_semaphore, #tpu.memory_space<semaphore_mem>>)
      %sub3A_652 = arith.constant 2047 : i32
      %sub3A_653 = arith.subi %sub3A_652, %scan3A_628 : i32
      %sub3A_654 = arith.constant 128 : i32
      %sub3A_655 = arith.subi %sub3A_653, %sub3A_654 : i32
      %dma_start3A_656 = arith.constant 1 : i32
      %dma_start3A_657 = tpu.memref_slice %arg3[%dma_start3A_656] : memref<8x!tpu.dma_semaphore, #tpu.memory_space<semaphore_mem>> -> memref<1x!tpu.dma_semaphore, #tpu.memory_space<semaphore_mem>>
      %dma_start3A_658 = tpu.memref_squeeze %dma_start3A_657 : memref<1x!tpu.dma_semaphore, #tpu.memory_space<semaphore_mem>> -> memref<!tpu.dma_semaphore, #tpu.memory_space<semaphore_mem>>
      %dma_start3A_659 = arith.constant 0 : i32
      %dma_start3A_660 = arith.constant 0 : i32
      %dma_start3A_661 = tpu.memref_slice %arg1[%sub3A_655, %dma_start3A_659, %dma_start3A_660] : memref<2048x16x2048xf32, #tpu.memory_space<any>> -> memref<1x16x2048xf32, #tpu.memory_space<any>>
      %dma_start3A_662 = tpu.memref_squeeze %dma_start3A_661 : memref<1x16x2048xf32, #tpu.memory_space<any>> -> memref<16x2048xf32, #tpu.memory_space<any>>
      %dma_start3A_663 = arith.constant 0 : i32
      %dma_start3A_664 = arith.constant 128 : i32
      %dma_start3A_665 = tpu.memref_slice %arg2[%scan3A_628, %dma_start3A_663, %dma_start3A_664] : memref<128x16x3968xf32, #tpu.memory_space<vmem>> -> memref<1x16x2048xf32, #tpu.memory_space<vmem>>
      %dma_start3A_666 = tpu.memref_squeeze %dma_start3A_665 : memref<1x16x2048xf32, #tpu.memory_space<vmem>> -> memref<16x2048xf32, #tpu.memory_space<vmem>>
      tpu.enqueue_dma source(%dma_start3A_666 : memref<16x2048xf32, #tpu.memory_space<vmem>>) target(%dma_start3A_662 : memref<16x2048xf32, #tpu.memory_space<any>>) target_semaphore(%dma_start3A_658 : memref<!tpu.dma_semaphore, #tpu.memory_space<semaphore_mem>>)
      %sub3A_667 = arith.constant 2047 : i32
      %sub3A_668 = arith.subi %sub3A_667, %scan3A_628 : i32
      %sub3A_669 = arith.constant 256 : i32
      %sub3A_670 = arith.subi %sub3A_668, %sub3A_669 : i32
      %dma_start3A_671 = arith.constant 2 : i32
      %dma_start3A_672 = tpu.memref_slice %arg3[%dma_start3A_671] : memref<8x!tpu.dma_semaphore, #tpu.memory_space<semaphore_mem>> -> memref<1x!tpu.dma_semaphore, #tpu.memory_space<semaphore_mem>>
      %dma_start3A_673 = tpu.memref_squeeze %dma_start3A_672 : memref<1x!tpu.dma_semaphore, #tpu.memory_space<semaphore_mem>> -> memref<!tpu.dma_semaphore, #tpu.memory_space<semaphore_mem>>
      %dma_start3A_674 = arith.constant 0 : i32
      %dma_start3A_675 = arith.constant 0 : i32
      %dma_start3A_676 = tpu.memref_slice %arg1[%sub3A_670, %dma_start3A_674, %dma_start3A_675] : memref<2048x16x2048xf32, #tpu.memory_space<any>> -> memref<1x16x2048xf32, #tpu.memory_space<any>>
      %dma_start3A_677 = tpu.memref_squeeze %dma_start3A_676 : memref<1x16x2048xf32, #tpu.memory_space<any>> -> memref<16x2048xf32, #tpu.memory_space<any>>
      %dma_start3A_678 = arith.constant 0 : i32
      %dma_start3A_679 = arith.constant 256 : i32
      %dma_start3A_680 = tpu.memref_slice %arg2[%scan3A_628, %dma_start3A_678, %dma_start3A_679] : memref<128x16x3968xf32, #tpu.memory_space<vmem>> -> memref<1x16x2048xf32, #tpu.memory_space<vmem>>
      %dma_start3A_681 = tpu.memref_squeeze %dma_start3A_680 : memref<1x16x2048xf32, #tpu.memory_space<vmem>> -> memref<16x2048xf32, #tpu.memory_space<vmem>>
      tpu.enqueue_dma source(%dma_start3A_681 : memref<16x2048xf32, #tpu.memory_space<vmem>>) target(%dma_start3A_677 : memref<16x2048xf32, #tpu.memory_space<any>>) target_semaphore(%dma_start3A_673 : memref<!tpu.dma_semaphore, #tpu.memory_space<semaphore_mem>>)
      %sub3A_682 = arith.constant 2047 : i32
      %sub3A_683 = arith.subi %sub3A_682, %scan3A_628 : i32
      %sub3A_684 = arith.constant 384 : i32
      %sub3A_685 = arith.subi %sub3A_683, %sub3A_684 : i32
      %dma_start3A_686 = arith.constant 3 : i32
      %dma_start3A_687 = tpu.memref_slice %arg3[%dma_start3A_686] : memref<8x!tpu.dma_semaphore, #tpu.memory_space<semaphore_mem>> -> memref<1x!tpu.dma_semaphore, #tpu.memory_space<semaphore_mem>>
      %dma_start3A_688 = tpu.memref_squeeze %dma_start3A_687 : memref<1x!tpu.dma_semaphore, #tpu.memory_space<semaphore_mem>> -> memref<!tpu.dma_semaphore, #tpu.memory_space<semaphore_mem>>
      %dma_start3A_689 = arith.constant 0 : i32
      %dma_start3A_690 = arith.constant 0 : i32
      %dma_start3A_691 = tpu.memref_slice %arg1[%sub3A_685, %dma_start3A_689, %dma_start3A_690] : memref<2048x16x2048xf32, #tpu.memory_space<any>> -> memref<1x16x2048xf32, #tpu.memory_space<any>>
      %dma_start3A_692 = tpu.memref_squeeze %dma_start3A_691 : memref<1x16x2048xf32, #tpu.memory_space<any>> -> memref<16x2048xf32, #tpu.memory_space<any>>
      %dma_start3A_693 = arith.constant 0 : i32
      %dma_start3A_694 = arith.constant 384 : i32
      %dma_start3A_695 = tpu.memref_slice %arg2[%scan3A_628, %dma_start3A_693, %dma_start3A_694] : memref<128x16x3968xf32, #tpu.memory_space<vmem>> -> memref<1x16x2048xf32, #tpu.memory_space<vmem>>
      %dma_start3A_696 = tpu.memref_squeeze %dma_start3A_695 : memref<1x16x2048xf32, #tpu.memory_space<vmem>> -> memref<16x2048xf32, #tpu.memory_space<vmem>>
      tpu.enqueue_dma source(%dma_start3A_696 : memref<16x2048xf32, #tpu.memory_space<vmem>>) target(%dma_start3A_692 : memref<16x2048xf32, #tpu.memory_space<any>>) target_semaphore(%dma_start3A_688 : memref<!tpu.dma_semaphore, #tpu.memory_space<semaphore_mem>>)
      %sub3A_697 = arith.constant 2047 : i32
      %sub3A_698 = arith.subi %sub3A_697, %scan3A_628 : i32
      %sub3A_699 = arith.constant 512 : i32
      %sub3A_700 = arith.subi %sub3A_698, %sub3A_699 : i32
      %dma_start3A_701 = arith.constant 4 : i32
      %dma_start3A_702 = tpu.memref_slice %arg3[%dma_start3A_701] : memref<8x!tpu.dma_semaphore, #tpu.memory_space<semaphore_mem>> -> memref<1x!tpu.dma_semaphore, #tpu.memory_space<semaphore_mem>>
      %dma_start3A_703 = tpu.memref_squeeze %dma_start3A_702 : memref<1x!tpu.dma_semaphore, #tpu.memory_space<semaphore_mem>> -> memref<!tpu.dma_semaphore, #tpu.memory_space<semaphore_mem>>
      %dma_start3A_704 = arith.constant 0 : i32
      %dma_start3A_705 = arith.constant 0 : i32
      %dma_start3A_706 = tpu.memref_slice %arg1[%sub3A_700, %dma_start3A_704, %dma_start3A_705] : memref<2048x16x2048xf32, #tpu.memory_space<any>> -> memref<1x16x2048xf32, #tpu.memory_space<any>>
      %dma_start3A_707 = tpu.memref_squeeze %dma_start3A_706 : memref<1x16x2048xf32, #tpu.memory_space<any>> -> memref<16x2048xf32, #tpu.memory_space<any>>
      %dma_start3A_708 = arith.constant 0 : i32
      %dma_start3A_709 = arith.constant 512 : i32
      %dma_start3A_710 = tpu.memref_slice %arg2[%scan3A_628, %dma_start3A_708, %dma_start3A_709] : memref<128x16x3968xf32, #tpu.memory_space<vmem>> -> memref<1x16x2048xf32, #tpu.memory_space<vmem>>
      %dma_start3A_711 = tpu.memref_squeeze %dma_start3A_710 : memref<1x16x2048xf32, #tpu.memory_space<vmem>> -> memref<16x2048xf32, #tpu.memory_space<vmem>>
      tpu.enqueue_dma source(%dma_start3A_711 : memref<16x2048xf32, #tpu.memory_space<vmem>>) target(%dma_start3A_707 : memref<16x2048xf32, #tpu.memory_space<any>>) target_semaphore(%dma_start3A_703 : memref<!tpu.dma_semaphore, #tpu.memory_space<semaphore_mem>>)
      %sub3A_712 = arith.constant 2047 : i32
      %sub3A_713 = arith.subi %sub3A_712, %scan3A_628 : i32
      %sub3A_714 = arith.constant 640 : i32
      %sub3A_715 = arith.subi %sub3A_713, %sub3A_714 : i32
      %dma_start3A_716 = arith.constant 5 : i32
      %dma_start3A_717 = tpu.memref_slice %arg3[%dma_start3A_716] : memref<8x!tpu.dma_semaphore, #tpu.memory_space<semaphore_mem>> -> memref<1x!tpu.dma_semaphore, #tpu.memory_space<semaphore_mem>>
      %dma_start3A_718 = tpu.memref_squeeze %dma_start3A_717 : memref<1x!tpu.dma_semaphore, #tpu.memory_space<semaphore_mem>> -> memref<!tpu.dma_semaphore, #tpu.memory_space<semaphore_mem>>
      %dma_start3A_719 = arith.constant 0 : i32
      %dma_start3A_720 = arith.constant 0 : i32
      %dma_start3A_721 = tpu.memref_slice %arg1[%sub3A_715, %dma_start3A_719, %dma_start3A_720] : memref<2048x16x2048xf32, #tpu.memory_space<any>> -> memref<1x16x2048xf32, #tpu.memory_space<any>>
      %dma_start3A_722 = tpu.memref_squeeze %dma_start3A_721 : memref<1x16x2048xf32, #tpu.memory_space<any>> -> memref<16x2048xf32, #tpu.memory_space<any>>
      %dma_start3A_723 = arith.constant 0 : i32
      %dma_start3A_724 = arith.constant 640 : i32
      %dma_start3A_725 = tpu.memref_slice %arg2[%scan3A_628, %dma_start3A_723, %dma_start3A_724] : memref<128x16x3968xf32, #tpu.memory_space<vmem>> -> memref<1x16x2048xf32, #tpu.memory_space<vmem>>
      %dma_start3A_726 = tpu.memref_squeeze %dma_start3A_725 : memref<1x16x2048xf32, #tpu.memory_space<vmem>> -> memref<16x2048xf32, #tpu.memory_space<vmem>>
      tpu.enqueue_dma source(%dma_start3A_726 : memref<16x2048xf32, #tpu.memory_space<vmem>>) target(%dma_start3A_722 : memref<16x2048xf32, #tpu.memory_space<any>>) target_semaphore(%dma_start3A_718 : memref<!tpu.dma_semaphore, #tpu.memory_space<semaphore_mem>>)
      %sub3A_727 = arith.constant 2047 : i32
      %sub3A_728 = arith.subi %sub3A_727, %scan3A_628 : i32
      %sub3A_729 = arith.constant 768 : i32
      %sub3A_730 = arith.subi %sub3A_728, %sub3A_729 : i32
      %dma_start3A_731 = arith.constant 6 : i32
      %dma_start3A_732 = tpu.memref_slice %arg3[%dma_start3A_731] : memref<8x!tpu.dma_semaphore, #tpu.memory_space<semaphore_mem>> -> memref<1x!tpu.dma_semaphore, #tpu.memory_space<semaphore_mem>>
      %dma_start3A_733 = tpu.memref_squeeze %dma_start3A_732 : memref<1x!tpu.dma_semaphore, #tpu.memory_space<semaphore_mem>> -> memref<!tpu.dma_semaphore, #tpu.memory_space<semaphore_mem>>
      %dma_start3A_734 = arith.constant 0 : i32
      %dma_start3A_735 = arith.constant 0 : i32
      %dma_start3A_736 = tpu.memref_slice %arg1[%sub3A_730, %dma_start3A_734, %dma_start3A_735] : memref<2048x16x2048xf32, #tpu.memory_space<any>> -> memref<1x16x2048xf32, #tpu.memory_space<any>>
      %dma_start3A_737 = tpu.memref_squeeze %dma_start3A_736 : memref<1x16x2048xf32, #tpu.memory_space<any>> -> memref<16x2048xf32, #tpu.memory_space<any>>
      %dma_start3A_738 = arith.constant 0 : i32
      %dma_start3A_739 = arith.constant 768 : i32
      %dma_start3A_740 = tpu.memref_slice %arg2[%scan3A_628, %dma_start3A_738, %dma_start3A_739] : memref<128x16x3968xf32, #tpu.memory_space<vmem>> -> memref<1x16x2048xf32, #tpu.memory_space<vmem>>
      %dma_start3A_741 = tpu.memref_squeeze %dma_start3A_740 : memref<1x16x2048xf32, #tpu.memory_space<vmem>> -> memref<16x2048xf32, #tpu.memory_space<vmem>>
      tpu.enqueue_dma source(%dma_start3A_741 : memref<16x2048xf32, #tpu.memory_space<vmem>>) target(%dma_start3A_737 : memref<16x2048xf32, #tpu.memory_space<any>>) target_semaphore(%dma_start3A_733 : memref<!tpu.dma_semaphore, #tpu.memory_space<semaphore_mem>>)
      %sub3A_742 = arith.constant 2047 : i32
      %sub3A_743 = arith.subi %sub3A_742, %scan3A_628 : i32
      %sub3A_744 = arith.constant 896 : i32
      %sub3A_745 = arith.subi %sub3A_743, %sub3A_744 : i32
      %dma_start3A_746 = arith.constant 7 : i32
      %dma_start3A_747 = tpu.memref_slice %arg3[%dma_start3A_746] : memref<8x!tpu.dma_semaphore, #tpu.memory_space<semaphore_mem>> -> memref<1x!tpu.dma_semaphore, #tpu.memory_space<semaphore_mem>>
      %dma_start3A_748 = tpu.memref_squeeze %dma_start3A_747 : memref<1x!tpu.dma_semaphore, #tpu.memory_space<semaphore_mem>> -> memref<!tpu.dma_semaphore, #tpu.memory_space<semaphore_mem>>
      %dma_start3A_749 = arith.constant 0 : i32
      %dma_start3A_750 = arith.constant 0 : i32
      %dma_start3A_751 = tpu.memref_slice %arg1[%sub3A_745, %dma_start3A_749, %dma_start3A_750] : memref<2048x16x2048xf32, #tpu.memory_space<any>> -> memref<1x16x2048xf32, #tpu.memory_space<any>>
      %dma_start3A_752 = tpu.memref_squeeze %dma_start3A_751 : memref<1x16x2048xf32, #tpu.memory_space<any>> -> memref<16x2048xf32, #tpu.memory_space<any>>
      %dma_start3A_753 = arith.constant 0 : i32
      %dma_start3A_754 = arith.constant 896 : i32
      %dma_start3A_755 = tpu.memref_slice %arg2[%scan3A_628, %dma_start3A_753, %dma_start3A_754] : memref<128x16x3968xf32, #tpu.memory_space<vmem>> -> memref<1x16x2048xf32, #tpu.memory_space<vmem>>
      %dma_start3A_756 = tpu.memref_squeeze %dma_start3A_755 : memref<1x16x2048xf32, #tpu.memory_space<vmem>> -> memref<16x2048xf32, #tpu.memory_space<vmem>>
      tpu.enqueue_dma source(%dma_start3A_756 : memref<16x2048xf32, #tpu.memory_space<vmem>>) target(%dma_start3A_752 : memref<16x2048xf32, #tpu.memory_space<any>>) target_semaphore(%dma_start3A_748 : memref<!tpu.dma_semaphore, #tpu.memory_space<semaphore_mem>>)
      %sub3A_757 = arith.constant 2047 : i32
      %sub3A_758 = arith.subi %sub3A_757, %scan3A_628 : i32
      %sub3A_759 = arith.constant 1024 : i32
      %sub3A_760 = arith.subi %sub3A_758, %sub3A_759 : i32
      %dma_start3A_761 = arith.constant 0 : i32
      %dma_start3A_762 = tpu.memref_slice %arg3[%dma_start3A_761] : memref<8x!tpu.dma_semaphore, #tpu.memory_space<semaphore_mem>> -> memref<1x!tpu.dma_semaphore, #tpu.memory_space<semaphore_mem>>
      %dma_start3A_763 = tpu.memref_squeeze %dma_start3A_762 : memref<1x!tpu.dma_semaphore, #tpu.memory_space<semaphore_mem>> -> memref<!tpu.dma_semaphore, #tpu.memory_space<semaphore_mem>>
      %dma_start3A_764 = arith.constant 0 : i32
      %dma_start3A_765 = arith.constant 0 : i32
      %dma_start3A_766 = tpu.memref_slice %arg1[%sub3A_760, %dma_start3A_764, %dma_start3A_765] : memref<2048x16x2048xf32, #tpu.memory_space<any>> -> memref<1x16x2048xf32, #tpu.memory_space<any>>
      %dma_start3A_767 = tpu.memref_squeeze %dma_start3A_766 : memref<1x16x2048xf32, #tpu.memory_space<any>> -> memref<16x2048xf32, #tpu.memory_space<any>>
      %dma_start3A_768 = arith.constant 0 : i32
      %dma_start3A_769 = arith.constant 1024 : i32
      %dma_start3A_770 = tpu.memref_slice %arg2[%scan3A_628, %dma_start3A_768, %dma_start3A_769] : memref<128x16x3968xf32, #tpu.memory_space<vmem>> -> memref<1x16x2048xf32, #tpu.memory_space<vmem>>
      %dma_start3A_771 = tpu.memref_squeeze %dma_start3A_770 : memref<1x16x2048xf32, #tpu.memory_space<vmem>> -> memref<16x2048xf32, #tpu.memory_space<vmem>>
      tpu.enqueue_dma source(%dma_start3A_771 : memref<16x2048xf32, #tpu.memory_space<vmem>>) target(%dma_start3A_767 : memref<16x2048xf32, #tpu.memory_space<any>>) target_semaphore(%dma_start3A_763 : memref<!tpu.dma_semaphore, #tpu.memory_space<semaphore_mem>>)
      %sub3A_772 = arith.constant 2047 : i32
      %sub3A_773 = arith.subi %sub3A_772, %scan3A_628 : i32
      %sub3A_774 = arith.constant 1152 : i32
      %sub3A_775 = arith.subi %sub3A_773, %sub3A_774 : i32
      %dma_start3A_776 = arith.constant 1 : i32
      %dma_start3A_777 = tpu.memref_slice %arg3[%dma_start3A_776] : memref<8x!tpu.dma_semaphore, #tpu.memory_space<semaphore_mem>> -> memref<1x!tpu.dma_semaphore, #tpu.memory_space<semaphore_mem>>
      %dma_start3A_778 = tpu.memref_squeeze %dma_start3A_777 : memref<1x!tpu.dma_semaphore, #tpu.memory_space<semaphore_mem>> -> memref<!tpu.dma_semaphore, #tpu.memory_space<semaphore_mem>>
      %dma_start3A_779 = arith.constant 0 : i32
      %dma_start3A_780 = arith.constant 0 : i32
      %dma_start3A_781 = tpu.memref_slice %arg1[%sub3A_775, %dma_start3A_779, %dma_start3A_780] : memref<2048x16x2048xf32, #tpu.memory_space<any>> -> memref<1x16x2048xf32, #tpu.memory_space<any>>
      %dma_start3A_782 = tpu.memref_squeeze %dma_start3A_781 : memref<1x16x2048xf32, #tpu.memory_space<any>> -> memref<16x2048xf32, #tpu.memory_space<any>>
      %dma_start3A_783 = arith.constant 0 : i32
      %dma_start3A_784 = arith.constant 1152 : i32
      %dma_start3A_785 = tpu.memref_slice %arg2[%scan3A_628, %dma_start3A_783, %dma_start3A_784] : memref<128x16x3968xf32, #tpu.memory_space<vmem>> -> memref<1x16x2048xf32, #tpu.memory_space<vmem>>
      %dma_start3A_786 = tpu.memref_squeeze %dma_start3A_785 : memref<1x16x2048xf32, #tpu.memory_space<vmem>> -> memref<16x2048xf32, #tpu.memory_space<vmem>>
      tpu.enqueue_dma source(%dma_start3A_786 : memref<16x2048xf32, #tpu.memory_space<vmem>>) target(%dma_start3A_782 : memref<16x2048xf32, #tpu.memory_space<any>>) target_semaphore(%dma_start3A_778 : memref<!tpu.dma_semaphore, #tpu.memory_space<semaphore_mem>>)
      %sub3A_787 = arith.constant 2047 : i32
      %sub3A_788 = arith.subi %sub3A_787, %scan3A_628 : i32
      %sub3A_789 = arith.constant 1280 : i32
      %sub3A_790 = arith.subi %sub3A_788, %sub3A_789 : i32
      %dma_start3A_791 = arith.constant 2 : i32
      %dma_start3A_792 = tpu.memref_slice %arg3[%dma_start3A_791] : memref<8x!tpu.dma_semaphore, #tpu.memory_space<semaphore_mem>> -> memref<1x!tpu.dma_semaphore, #tpu.memory_space<semaphore_mem>>
      %dma_start3A_793 = tpu.memref_squeeze %dma_start3A_792 : memref<1x!tpu.dma_semaphore, #tpu.memory_space<semaphore_mem>> -> memref<!tpu.dma_semaphore, #tpu.memory_space<semaphore_mem>>
      %dma_start3A_794 = arith.constant 0 : i32
      %dma_start3A_795 = arith.constant 0 : i32
      %dma_start3A_796 = tpu.memref_slice %arg1[%sub3A_790, %dma_start3A_794, %dma_start3A_795] : memref<2048x16x2048xf32, #tpu.memory_space<any>> -> memref<1x16x2048xf32, #tpu.memory_space<any>>
      %dma_start3A_797 = tpu.memref_squeeze %dma_start3A_796 : memref<1x16x2048xf32, #tpu.memory_space<any>> -> memref<16x2048xf32, #tpu.memory_space<any>>
      %dma_start3A_798 = arith.constant 0 : i32
      %dma_start3A_799 = arith.constant 1280 : i32
      %dma_start3A_800 = tpu.memref_slice %arg2[%scan3A_628, %dma_start3A_798, %dma_start3A_799] : memref<128x16x3968xf32, #tpu.memory_space<vmem>> -> memref<1x16x2048xf32, #tpu.memory_space<vmem>>
      %dma_start3A_801 = tpu.memref_squeeze %dma_start3A_800 : memref<1x16x2048xf32, #tpu.memory_space<vmem>> -> memref<16x2048xf32, #tpu.memory_space<vmem>>
      tpu.enqueue_dma source(%dma_start3A_801 : memref<16x2048xf32, #tpu.memory_space<vmem>>) target(%dma_start3A_797 : memref<16x2048xf32, #tpu.memory_space<any>>) target_semaphore(%dma_start3A_793 : memref<!tpu.dma_semaphore, #tpu.memory_space<semaphore_mem>>)
      %sub3A_802 = arith.constant 2047 : i32
      %sub3A_803 = arith.subi %sub3A_802, %scan3A_628 : i32
      %sub3A_804 = arith.constant 1408 : i32
      %sub3A_805 = arith.subi %sub3A_803, %sub3A_804 : i32
      %dma_start3A_806 = arith.constant 3 : i32
      %dma_start3A_807 = tpu.memref_slice %arg3[%dma_start3A_806] : memref<8x!tpu.dma_semaphore, #tpu.memory_space<semaphore_mem>> -> memref<1x!tpu.dma_semaphore, #tpu.memory_space<semaphore_mem>>
      %dma_start3A_808 = tpu.memref_squeeze %dma_start3A_807 : memref<1x!tpu.dma_semaphore, #tpu.memory_space<semaphore_mem>> -> memref<!tpu.dma_semaphore, #tpu.memory_space<semaphore_mem>>
      %dma_start3A_809 = arith.constant 0 : i32
      %dma_start3A_810 = arith.constant 0 : i32
      %dma_start3A_811 = tpu.memref_slice %arg1[%sub3A_805, %dma_start3A_809, %dma_start3A_810] : memref<2048x16x2048xf32, #tpu.memory_space<any>> -> memref<1x16x2048xf32, #tpu.memory_space<any>>
      %dma_start3A_812 = tpu.memref_squeeze %dma_start3A_811 : memref<1x16x2048xf32, #tpu.memory_space<any>> -> memref<16x2048xf32, #tpu.memory_space<any>>
      %dma_start3A_813 = arith.constant 0 : i32
      %dma_start3A_814 = arith.constant 1408 : i32
      %dma_start3A_815 = tpu.memref_slice %arg2[%scan3A_628, %dma_start3A_813, %dma_start3A_814] : memref<128x16x3968xf32, #tpu.memory_space<vmem>> -> memref<1x16x2048xf32, #tpu.memory_space<vmem>>
      %dma_start3A_816 = tpu.memref_squeeze %dma_start3A_815 : memref<1x16x2048xf32, #tpu.memory_space<vmem>> -> memref<16x2048xf32, #tpu.memory_space<vmem>>
      tpu.enqueue_dma source(%dma_start3A_816 : memref<16x2048xf32, #tpu.memory_space<vmem>>) target(%dma_start3A_812 : memref<16x2048xf32, #tpu.memory_space<any>>) target_semaphore(%dma_start3A_808 : memref<!tpu.dma_semaphore, #tpu.memory_space<semaphore_mem>>)
      %sub3A_817 = arith.constant 2047 : i32
      %sub3A_818 = arith.subi %sub3A_817, %scan3A_628 : i32
      %sub3A_819 = arith.constant 1536 : i32
      %sub3A_820 = arith.subi %sub3A_818, %sub3A_819 : i32
      %dma_start3A_821 = arith.constant 4 : i32
      %dma_start3A_822 = tpu.memref_slice %arg3[%dma_start3A_821] : memref<8x!tpu.dma_semaphore, #tpu.memory_space<semaphore_mem>> -> memref<1x!tpu.dma_semaphore, #tpu.memory_space<semaphore_mem>>
      %dma_start3A_823 = tpu.memref_squeeze %dma_start3A_822 : memref<1x!tpu.dma_semaphore, #tpu.memory_space<semaphore_mem>> -> memref<!tpu.dma_semaphore, #tpu.memory_space<semaphore_mem>>
      %dma_start3A_824 = arith.constant 0 : i32
      %dma_start3A_825 = arith.constant 0 : i32
      %dma_start3A_826 = tpu.memref_slice %arg1[%sub3A_820, %dma_start3A_824, %dma_start3A_825] : memref<2048x16x2048xf32, #tpu.memory_space<any>> -> memref<1x16x2048xf32, #tpu.memory_space<any>>
      %dma_start3A_827 = tpu.memref_squeeze %dma_start3A_826 : memref<1x16x2048xf32, #tpu.memory_space<any>> -> memref<16x2048xf32, #tpu.memory_space<any>>
      %dma_start3A_828 = arith.constant 0 : i32
      %dma_start3A_829 = arith.constant 1536 : i32
      %dma_start3A_830 = tpu.memref_slice %arg2[%scan3A_628, %dma_start3A_828, %dma_start3A_829] : memref<128x16x3968xf32, #tpu.memory_space<vmem>> -> memref<1x16x2048xf32, #tpu.memory_space<vmem>>
      %dma_start3A_831 = tpu.memref_squeeze %dma_start3A_830 : memref<1x16x2048xf32, #tpu.memory_space<vmem>> -> memref<16x2048xf32, #tpu.memory_space<vmem>>
      tpu.enqueue_dma source(%dma_start3A_831 : memref<16x2048xf32, #tpu.memory_space<vmem>>) target(%dma_start3A_827 : memref<16x2048xf32, #tpu.memory_space<any>>) target_semaphore(%dma_start3A_823 : memref<!tpu.dma_semaphore, #tpu.memory_space<semaphore_mem>>)
      %sub3A_832 = arith.constant 2047 : i32
      %sub3A_833 = arith.subi %sub3A_832, %scan3A_628 : i32
      %sub3A_834 = arith.constant 1664 : i32
      %sub3A_835 = arith.subi %sub3A_833, %sub3A_834 : i32
      %dma_start3A_836 = arith.constant 5 : i32
      %dma_start3A_837 = tpu.memref_slice %arg3[%dma_start3A_836] : memref<8x!tpu.dma_semaphore, #tpu.memory_space<semaphore_mem>> -> memref<1x!tpu.dma_semaphore, #tpu.memory_space<semaphore_mem>>
      %dma_start3A_838 = tpu.memref_squeeze %dma_start3A_837 : memref<1x!tpu.dma_semaphore, #tpu.memory_space<semaphore_mem>> -> memref<!tpu.dma_semaphore, #tpu.memory_space<semaphore_mem>>
      %dma_start3A_839 = arith.constant 0 : i32
      %dma_start3A_840 = arith.constant 0 : i32
      %dma_start3A_841 = tpu.memref_slice %arg1[%sub3A_835, %dma_start3A_839, %dma_start3A_840] : memref<2048x16x2048xf32, #tpu.memory_space<any>> -> memref<1x16x2048xf32, #tpu.memory_space<any>>
      %dma_start3A_842 = tpu.memref_squeeze %dma_start3A_841 : memref<1x16x2048xf32, #tpu.memory_space<any>> -> memref<16x2048xf32, #tpu.memory_space<any>>
      %dma_start3A_843 = arith.constant 0 : i32
      %dma_start3A_844 = arith.constant 1664 : i32
      %dma_start3A_845 = tpu.memref_slice %arg2[%scan3A_628, %dma_start3A_843, %dma_start3A_844] : memref<128x16x3968xf32, #tpu.memory_space<vmem>> -> memref<1x16x2048xf32, #tpu.memory_space<vmem>>
      %dma_start3A_846 = tpu.memref_squeeze %dma_start3A_845 : memref<1x16x2048xf32, #tpu.memory_space<vmem>> -> memref<16x2048xf32, #tpu.memory_space<vmem>>
      tpu.enqueue_dma source(%dma_start3A_846 : memref<16x2048xf32, #tpu.memory_space<vmem>>) target(%dma_start3A_842 : memref<16x2048xf32, #tpu.memory_space<any>>) target_semaphore(%dma_start3A_838 : memref<!tpu.dma_semaphore, #tpu.memory_space<semaphore_mem>>)
      %sub3A_847 = arith.constant 2047 : i32
      %sub3A_848 = arith.subi %sub3A_847, %scan3A_628 : i32
      %sub3A_849 = arith.constant 1792 : i32
      %sub3A_850 = arith.subi %sub3A_848, %sub3A_849 : i32
      %dma_start3A_851 = arith.constant 6 : i32
      %dma_start3A_852 = tpu.memref_slice %arg3[%dma_start3A_851] : memref<8x!tpu.dma_semaphore, #tpu.memory_space<semaphore_mem>> -> memref<1x!tpu.dma_semaphore, #tpu.memory_space<semaphore_mem>>
      %dma_start3A_853 = tpu.memref_squeeze %dma_start3A_852 : memref<1x!tpu.dma_semaphore, #tpu.memory_space<semaphore_mem>> -> memref<!tpu.dma_semaphore, #tpu.memory_space<semaphore_mem>>
      %dma_start3A_854 = arith.constant 0 : i32
      %dma_start3A_855 = arith.constant 0 : i32
      %dma_start3A_856 = tpu.memref_slice %arg1[%sub3A_850, %dma_start3A_854, %dma_start3A_855] : memref<2048x16x2048xf32, #tpu.memory_space<any>> -> memref<1x16x2048xf32, #tpu.memory_space<any>>
      %dma_start3A_857 = tpu.memref_squeeze %dma_start3A_856 : memref<1x16x2048xf32, #tpu.memory_space<any>> -> memref<16x2048xf32, #tpu.memory_space<any>>
      %dma_start3A_858 = arith.constant 0 : i32
      %dma_start3A_859 = arith.constant 1792 : i32
      %dma_start3A_860 = tpu.memref_slice %arg2[%scan3A_628, %dma_start3A_858, %dma_start3A_859] : memref<128x16x3968xf32, #tpu.memory_space<vmem>> -> memref<1x16x2048xf32, #tpu.memory_space<vmem>>
      %dma_start3A_861 = tpu.memref_squeeze %dma_start3A_860 : memref<1x16x2048xf32, #tpu.memory_space<vmem>> -> memref<16x2048xf32, #tpu.memory_space<vmem>>
      tpu.enqueue_dma source(%dma_start3A_861 : memref<16x2048xf32, #tpu.memory_space<vmem>>) target(%dma_start3A_857 : memref<16x2048xf32, #tpu.memory_space<any>>) target_semaphore(%dma_start3A_853 : memref<!tpu.dma_semaphore, #tpu.memory_space<semaphore_mem>>)
      %sub3A_862 = arith.constant 2047 : i32
      %sub3A_863 = arith.subi %sub3A_862, %scan3A_628 : i32
      %sub3A_864 = arith.constant 1920 : i32
      %sub3A_865 = arith.subi %sub3A_863, %sub3A_864 : i32
      %dma_start3A_866 = arith.constant 7 : i32
      %dma_start3A_867 = tpu.memref_slice %arg3[%dma_start3A_866] : memref<8x!tpu.dma_semaphore, #tpu.memory_space<semaphore_mem>> -> memref<1x!tpu.dma_semaphore, #tpu.memory_space<semaphore_mem>>
      %dma_start3A_868 = tpu.memref_squeeze %dma_start3A_867 : memref<1x!tpu.dma_semaphore, #tpu.memory_space<semaphore_mem>> -> memref<!tpu.dma_semaphore, #tpu.memory_space<semaphore_mem>>
      %dma_start3A_869 = arith.constant 0 : i32
      %dma_start3A_870 = arith.constant 0 : i32
      %dma_start3A_871 = tpu.memref_slice %arg1[%sub3A_865, %dma_start3A_869, %dma_start3A_870] : memref<2048x16x2048xf32, #tpu.memory_space<any>> -> memref<1x16x2048xf32, #tpu.memory_space<any>>
      %dma_start3A_872 = tpu.memref_squeeze %dma_start3A_871 : memref<1x16x2048xf32, #tpu.memory_space<any>> -> memref<16x2048xf32, #tpu.memory_space<any>>
      %dma_start3A_873 = arith.constant 0 : i32
      %dma_start3A_874 = arith.constant 1920 : i32
      %dma_start3A_875 = tpu.memref_slice %arg2[%scan3A_628, %dma_start3A_873, %dma_start3A_874] : memref<128x16x3968xf32, #tpu.memory_space<vmem>> -> memref<1x16x2048xf32, #tpu.memory_space<vmem>>
      %dma_start3A_876 = tpu.memref_squeeze %dma_start3A_875 : memref<1x16x2048xf32, #tpu.memory_space<vmem>> -> memref<16x2048xf32, #tpu.memory_space<vmem>>
      tpu.enqueue_dma source(%dma_start3A_876 : memref<16x2048xf32, #tpu.memory_space<vmem>>) target(%dma_start3A_872 : memref<16x2048xf32, #tpu.memory_space<any>>) target_semaphore(%dma_start3A_868 : memref<!tpu.dma_semaphore, #tpu.memory_space<semaphore_mem>>)
      %ge3A = arith.constant 3 : i32
      %ge3A_877 = arith.cmpi sge, %scan3A_628, %ge3A : i32
      %convert_element_type3A = arith.extui %ge3A_877 : i1 to i32
      %cond3A = arith.constant 0 : i32
      %cond3A_878 = arith.cmpi ne, %convert_element_type3A, %cond3A : i32
      scf.if %cond3A_878 {
        %dma_wait3A_879 = arith.constant 0 : i32
        %dma_wait3A_880 = arith.constant 0 : i32
        %dma_wait3A_881 = arith.constant 0 : i32
        %dma_wait3A_882 = tpu.memref_slice %arg3[%dma_wait3A_881] : memref<8x!tpu.dma_semaphore, #tpu.memory_space<semaphore_mem>> -> memref<1x!tpu.dma_semaphore, #tpu.memory_space<semaphore_mem>>
        %dma_wait3A_883 = tpu.memref_squeeze %dma_wait3A_882 : memref<1x!tpu.dma_semaphore, #tpu.memory_space<semaphore_mem>> -> memref<!tpu.dma_semaphore, #tpu.memory_space<semaphore_mem>>
        %dma_wait3A_884 = arith.constant 0 : i32
        %dma_wait3A_885 = arith.constant 0 : i32
        %dma_wait3A_886 = tpu.memref_slice %arg1[%dma_wait3A_880, %dma_wait3A_884, %dma_wait3A_885] : memref<2048x16x2048xf32, #tpu.memory_space<any>> -> memref<1x16x2048xf32, #tpu.memory_space<any>>
        %dma_wait3A_887 = tpu.memref_squeeze %dma_wait3A_886 : memref<1x16x2048xf32, #tpu.memory_space<any>> -> memref<16x2048xf32, #tpu.memory_space<any>>
        %dma_wait3A_888 = arith.constant 0 : i32
        %dma_wait3A_889 = arith.constant 0 : i32
        %dma_wait3A_890 = tpu.memref_slice %arg2[%dma_wait3A_879, %dma_wait3A_888, %dma_wait3A_889] : memref<128x16x3968xf32, #tpu.memory_space<vmem>> -> memref<1x16x2048xf32, #tpu.memory_space<vmem>>
        %dma_wait3A_891 = tpu.memref_squeeze %dma_wait3A_890 : memref<1x16x2048xf32, #tpu.memory_space<vmem>> -> memref<16x2048xf32, #tpu.memory_space<vmem>>
        tpu.wait_dma2 semaphore(%dma_wait3A_883 : memref<!tpu.dma_semaphore, #tpu.memory_space<semaphore_mem>>) src(%dma_wait3A_891 : memref<16x2048xf32, #tpu.memory_space<vmem>>) dst(%dma_wait3A_887 : memref<16x2048xf32, #tpu.memory_space<any>>)
        %dma_wait3A_892 = arith.constant 0 : i32
        %dma_wait3A_893 = arith.constant 0 : i32
        %dma_wait3A_894 = arith.constant 1 : i32
        %dma_wait3A_895 = tpu.memref_slice %arg3[%dma_wait3A_894] : memref<8x!tpu.dma_semaphore, #tpu.memory_space<semaphore_mem>> -> memref<1x!tpu.dma_semaphore, #tpu.memory_space<semaphore_mem>>
        %dma_wait3A_896 = tpu.memref_squeeze %dma_wait3A_895 : memref<1x!tpu.dma_semaphore, #tpu.memory_space<semaphore_mem>> -> memref<!tpu.dma_semaphore, #tpu.memory_space<semaphore_mem>>
        %dma_wait3A_897 = arith.constant 0 : i32
        %dma_wait3A_898 = arith.constant 0 : i32
        %dma_wait3A_899 = tpu.memref_slice %arg1[%dma_wait3A_893, %dma_wait3A_897, %dma_wait3A_898] : memref<2048x16x2048xf32, #tpu.memory_space<any>> -> memref<1x16x2048xf32, #tpu.memory_space<any>>
        %dma_wait3A_900 = tpu.memref_squeeze %dma_wait3A_899 : memref<1x16x2048xf32, #tpu.memory_space<any>> -> memref<16x2048xf32, #tpu.memory_space<any>>
        %dma_wait3A_901 = arith.constant 0 : i32
        %dma_wait3A_902 = arith.constant 0 : i32
        %dma_wait3A_903 = tpu.memref_slice %arg2[%dma_wait3A_892, %dma_wait3A_901, %dma_wait3A_902] : memref<128x16x3968xf32, #tpu.memory_space<vmem>> -> memref<1x16x2048xf32, #tpu.memory_space<vmem>>
        %dma_wait3A_904 = tpu.memref_squeeze %dma_wait3A_903 : memref<1x16x2048xf32, #tpu.memory_space<vmem>> -> memref<16x2048xf32, #tpu.memory_space<vmem>>
        tpu.wait_dma2 semaphore(%dma_wait3A_896 : memref<!tpu.dma_semaphore, #tpu.memory_space<semaphore_mem>>) src(%dma_wait3A_904 : memref<16x2048xf32, #tpu.memory_space<vmem>>) dst(%dma_wait3A_900 : memref<16x2048xf32, #tpu.memory_space<any>>)
        %dma_wait3A_905 = arith.constant 0 : i32
        %dma_wait3A_906 = arith.constant 0 : i32
        %dma_wait3A_907 = arith.constant 2 : i32
        %dma_wait3A_908 = tpu.memref_slice %arg3[%dma_wait3A_907] : memref<8x!tpu.dma_semaphore, #tpu.memory_space<semaphore_mem>> -> memref<1x!tpu.dma_semaphore, #tpu.memory_space<semaphore_mem>>
        %dma_wait3A_909 = tpu.memref_squeeze %dma_wait3A_908 : memref<1x!tpu.dma_semaphore, #tpu.memory_space<semaphore_mem>> -> memref<!tpu.dma_semaphore, #tpu.memory_space<semaphore_mem>>
        %dma_wait3A_910 = arith.constant 0 : i32
        %dma_wait3A_911 = arith.constant 0 : i32
        %dma_wait3A_912 = tpu.memref_slice %arg1[%dma_wait3A_906, %dma_wait3A_910, %dma_wait3A_911] : memref<2048x16x2048xf32, #tpu.memory_space<any>> -> memref<1x16x2048xf32, #tpu.memory_space<any>>
        %dma_wait3A_913 = tpu.memref_squeeze %dma_wait3A_912 : memref<1x16x2048xf32, #tpu.memory_space<any>> -> memref<16x2048xf32, #tpu.memory_space<any>>
        %dma_wait3A_914 = arith.constant 0 : i32
        %dma_wait3A_915 = arith.constant 0 : i32
        %dma_wait3A_916 = tpu.memref_slice %arg2[%dma_wait3A_905, %dma_wait3A_914, %dma_wait3A_915] : memref<128x16x3968xf32, #tpu.memory_space<vmem>> -> memref<1x16x2048xf32, #tpu.memory_space<vmem>>
        %dma_wait3A_917 = tpu.memref_squeeze %dma_wait3A_916 : memref<1x16x2048xf32, #tpu.memory_space<vmem>> -> memref<16x2048xf32, #tpu.memory_space<vmem>>
        tpu.wait_dma2 semaphore(%dma_wait3A_909 : memref<!tpu.dma_semaphore, #tpu.memory_space<semaphore_mem>>) src(%dma_wait3A_917 : memref<16x2048xf32, #tpu.memory_space<vmem>>) dst(%dma_wait3A_913 : memref<16x2048xf32, #tpu.memory_space<any>>)
        %dma_wait3A_918 = arith.constant 0 : i32
        %dma_wait3A_919 = arith.constant 0 : i32
        %dma_wait3A_920 = arith.constant 3 : i32
        %dma_wait3A_921 = tpu.memref_slice %arg3[%dma_wait3A_920] : memref<8x!tpu.dma_semaphore, #tpu.memory_space<semaphore_mem>> -> memref<1x!tpu.dma_semaphore, #tpu.memory_space<semaphore_mem>>
        %dma_wait3A_922 = tpu.memref_squeeze %dma_wait3A_921 : memref<1x!tpu.dma_semaphore, #tpu.memory_space<semaphore_mem>> -> memref<!tpu.dma_semaphore, #tpu.memory_space<semaphore_mem>>
        %dma_wait3A_923 = arith.constant 0 : i32
        %dma_wait3A_924 = arith.constant 0 : i32
        %dma_wait3A_925 = tpu.memref_slice %arg1[%dma_wait3A_919, %dma_wait3A_923, %dma_wait3A_924] : memref<2048x16x2048xf32, #tpu.memory_space<any>> -> memref<1x16x2048xf32, #tpu.memory_space<any>>
        %dma_wait3A_926 = tpu.memref_squeeze %dma_wait3A_925 : memref<1x16x2048xf32, #tpu.memory_space<any>> -> memref<16x2048xf32, #tpu.memory_space<any>>
        %dma_wait3A_927 = arith.constant 0 : i32
        %dma_wait3A_928 = arith.constant 0 : i32
        %dma_wait3A_929 = tpu.memref_slice %arg2[%dma_wait3A_918, %dma_wait3A_927, %dma_wait3A_928] : memref<128x16x3968xf32, #tpu.memory_space<vmem>> -> memref<1x16x2048xf32, #tpu.memory_space<vmem>>
        %dma_wait3A_930 = tpu.memref_squeeze %dma_wait3A_929 : memref<1x16x2048xf32, #tpu.memory_space<vmem>> -> memref<16x2048xf32, #tpu.memory_space<vmem>>
        tpu.wait_dma2 semaphore(%dma_wait3A_922 : memref<!tpu.dma_semaphore, #tpu.memory_space<semaphore_mem>>) src(%dma_wait3A_930 : memref<16x2048xf32, #tpu.memory_space<vmem>>) dst(%dma_wait3A_926 : memref<16x2048xf32, #tpu.memory_space<any>>)
        %dma_wait3A_931 = arith.constant 0 : i32
        %dma_wait3A_932 = arith.constant 0 : i32
        %dma_wait3A_933 = arith.constant 4 : i32
        %dma_wait3A_934 = tpu.memref_slice %arg3[%dma_wait3A_933] : memref<8x!tpu.dma_semaphore, #tpu.memory_space<semaphore_mem>> -> memref<1x!tpu.dma_semaphore, #tpu.memory_space<semaphore_mem>>
        %dma_wait3A_935 = tpu.memref_squeeze %dma_wait3A_934 : memref<1x!tpu.dma_semaphore, #tpu.memory_space<semaphore_mem>> -> memref<!tpu.dma_semaphore, #tpu.memory_space<semaphore_mem>>
        %dma_wait3A_936 = arith.constant 0 : i32
        %dma_wait3A_937 = arith.constant 0 : i32
        %dma_wait3A_938 = tpu.memref_slice %arg1[%dma_wait3A_932, %dma_wait3A_936, %dma_wait3A_937] : memref<2048x16x2048xf32, #tpu.memory_space<any>> -> memref<1x16x2048xf32, #tpu.memory_space<any>>
        %dma_wait3A_939 = tpu.memref_squeeze %dma_wait3A_938 : memref<1x16x2048xf32, #tpu.memory_space<any>> -> memref<16x2048xf32, #tpu.memory_space<any>>
        %dma_wait3A_940 = arith.constant 0 : i32
        %dma_wait3A_941 = arith.constant 0 : i32
        %dma_wait3A_942 = tpu.memref_slice %arg2[%dma_wait3A_931, %dma_wait3A_940, %dma_wait3A_941] : memref<128x16x3968xf32, #tpu.memory_space<vmem>> -> memref<1x16x2048xf32, #tpu.memory_space<vmem>>
        %dma_wait3A_943 = tpu.memref_squeeze %dma_wait3A_942 : memref<1x16x2048xf32, #tpu.memory_space<vmem>> -> memref<16x2048xf32, #tpu.memory_space<vmem>>
        tpu.wait_dma2 semaphore(%dma_wait3A_935 : memref<!tpu.dma_semaphore, #tpu.memory_space<semaphore_mem>>) src(%dma_wait3A_943 : memref<16x2048xf32, #tpu.memory_space<vmem>>) dst(%dma_wait3A_939 : memref<16x2048xf32, #tpu.memory_space<any>>)
        %dma_wait3A_944 = arith.constant 0 : i32
        %dma_wait3A_945 = arith.constant 0 : i32
        %dma_wait3A_946 = arith.constant 5 : i32
        %dma_wait3A_947 = tpu.memref_slice %arg3[%dma_wait3A_946] : memref<8x!tpu.dma_semaphore, #tpu.memory_space<semaphore_mem>> -> memref<1x!tpu.dma_semaphore, #tpu.memory_space<semaphore_mem>>
        %dma_wait3A_948 = tpu.memref_squeeze %dma_wait3A_947 : memref<1x!tpu.dma_semaphore, #tpu.memory_space<semaphore_mem>> -> memref<!tpu.dma_semaphore, #tpu.memory_space<semaphore_mem>>
        %dma_wait3A_949 = arith.constant 0 : i32
        %dma_wait3A_950 = arith.constant 0 : i32
        %dma_wait3A_951 = tpu.memref_slice %arg1[%dma_wait3A_945, %dma_wait3A_949, %dma_wait3A_950] : memref<2048x16x2048xf32, #tpu.memory_space<any>> -> memref<1x16x2048xf32, #tpu.memory_space<any>>
        %dma_wait3A_952 = tpu.memref_squeeze %dma_wait3A_951 : memref<1x16x2048xf32, #tpu.memory_space<any>> -> memref<16x2048xf32, #tpu.memory_space<any>>
        %dma_wait3A_953 = arith.constant 0 : i32
        %dma_wait3A_954 = arith.constant 0 : i32
        %dma_wait3A_955 = tpu.memref_slice %arg2[%dma_wait3A_944, %dma_wait3A_953, %dma_wait3A_954] : memref<128x16x3968xf32, #tpu.memory_space<vmem>> -> memref<1x16x2048xf32, #tpu.memory_space<vmem>>
        %dma_wait3A_956 = tpu.memref_squeeze %dma_wait3A_955 : memref<1x16x2048xf32, #tpu.memory_space<vmem>> -> memref<16x2048xf32, #tpu.memory_space<vmem>>
        tpu.wait_dma2 semaphore(%dma_wait3A_948 : memref<!tpu.dma_semaphore, #tpu.memory_space<semaphore_mem>>) src(%dma_wait3A_956 : memref<16x2048xf32, #tpu.memory_space<vmem>>) dst(%dma_wait3A_952 : memref<16x2048xf32, #tpu.memory_space<any>>)
        %dma_wait3A_957 = arith.constant 0 : i32
        %dma_wait3A_958 = arith.constant 0 : i32
        %dma_wait3A_959 = arith.constant 6 : i32
        %dma_wait3A_960 = tpu.memref_slice %arg3[%dma_wait3A_959] : memref<8x!tpu.dma_semaphore, #tpu.memory_space<semaphore_mem>> -> memref<1x!tpu.dma_semaphore, #tpu.memory_space<semaphore_mem>>
        %dma_wait3A_961 = tpu.memref_squeeze %dma_wait3A_960 : memref<1x!tpu.dma_semaphore, #tpu.memory_space<semaphore_mem>> -> memref<!tpu.dma_semaphore, #tpu.memory_space<semaphore_mem>>
        %dma_wait3A_962 = arith.constant 0 : i32
        %dma_wait3A_963 = arith.constant 0 : i32
        %dma_wait3A_964 = tpu.memref_slice %arg1[%dma_wait3A_958, %dma_wait3A_962, %dma_wait3A_963] : memref<2048x16x2048xf32, #tpu.memory_space<any>> -> memref<1x16x2048xf32, #tpu.memory_space<any>>
        %dma_wait3A_965 = tpu.memref_squeeze %dma_wait3A_964 : memref<1x16x2048xf32, #tpu.memory_space<any>> -> memref<16x2048xf32, #tpu.memory_space<any>>
        %dma_wait3A_966 = arith.constant 0 : i32
        %dma_wait3A_967 = arith.constant 0 : i32
        %dma_wait3A_968 = tpu.memref_slice %arg2[%dma_wait3A_957, %dma_wait3A_966, %dma_wait3A_967] : memref<128x16x3968xf32, #tpu.memory_space<vmem>> -> memref<1x16x2048xf32, #tpu.memory_space<vmem>>
        %dma_wait3A_969 = tpu.memref_squeeze %dma_wait3A_968 : memref<1x16x2048xf32, #tpu.memory_space<vmem>> -> memref<16x2048xf32, #tpu.memory_space<vmem>>
        tpu.wait_dma2 semaphore(%dma_wait3A_961 : memref<!tpu.dma_semaphore, #tpu.memory_space<semaphore_mem>>) src(%dma_wait3A_969 : memref<16x2048xf32, #tpu.memory_space<vmem>>) dst(%dma_wait3A_965 : memref<16x2048xf32, #tpu.memory_space<any>>)
        %dma_wait3A_970 = arith.constant 0 : i32
        %dma_wait3A_971 = arith.constant 0 : i32
        %dma_wait3A_972 = arith.constant 7 : i32
        %dma_wait3A_973 = tpu.memref_slice %arg3[%dma_wait3A_972] : memref<8x!tpu.dma_semaphore, #tpu.memory_space<semaphore_mem>> -> memref<1x!tpu.dma_semaphore, #tpu.memory_space<semaphore_mem>>
        %dma_wait3A_974 = tpu.memref_squeeze %dma_wait3A_973 : memref<1x!tpu.dma_semaphore, #tpu.memory_space<semaphore_mem>> -> memref<!tpu.dma_semaphore, #tpu.memory_space<semaphore_mem>>
        %dma_wait3A_975 = arith.constant 0 : i32
        %dma_wait3A_976 = arith.constant 0 : i32
        %dma_wait3A_977 = tpu.memref_slice %arg1[%dma_wait3A_971, %dma_wait3A_975, %dma_wait3A_976] : memref<2048x16x2048xf32, #tpu.memory_space<any>> -> memref<1x16x2048xf32, #tpu.memory_space<any>>
        %dma_wait3A_978 = tpu.memref_squeeze %dma_wait3A_977 : memref<1x16x2048xf32, #tpu.memory_space<any>> -> memref<16x2048xf32, #tpu.memory_space<any>>
        %dma_wait3A_979 = arith.constant 0 : i32
        %dma_wait3A_980 = arith.constant 0 : i32
        %dma_wait3A_981 = tpu.memref_slice %arg2[%dma_wait3A_970, %dma_wait3A_979, %dma_wait3A_980] : memref<128x16x3968xf32, #tpu.memory_space<vmem>> -> memref<1x16x2048xf32, #tpu.memory_space<vmem>>
        %dma_wait3A_982 = tpu.memref_squeeze %dma_wait3A_981 : memref<1x16x2048xf32, #tpu.memory_space<vmem>> -> memref<16x2048xf32, #tpu.memory_space<vmem>>
        tpu.wait_dma2 semaphore(%dma_wait3A_974 : memref<!tpu.dma_semaphore, #tpu.memory_space<semaphore_mem>>) src(%dma_wait3A_982 : memref<16x2048xf32, #tpu.memory_space<vmem>>) dst(%dma_wait3A_978 : memref<16x2048xf32, #tpu.memory_space<any>>)
        %dma_wait3A_983 = arith.constant 0 : i32
        %dma_wait3A_984 = arith.constant 0 : i32
        %dma_wait3A_985 = arith.constant 0 : i32
        %dma_wait3A_986 = tpu.memref_slice %arg3[%dma_wait3A_985] : memref<8x!tpu.dma_semaphore, #tpu.memory_space<semaphore_mem>> -> memref<1x!tpu.dma_semaphore, #tpu.memory_space<semaphore_mem>>
        %dma_wait3A_987 = tpu.memref_squeeze %dma_wait3A_986 : memref<1x!tpu.dma_semaphore, #tpu.memory_space<semaphore_mem>> -> memref<!tpu.dma_semaphore, #tpu.memory_space<semaphore_mem>>
        %dma_wait3A_988 = arith.constant 0 : i32
        %dma_wait3A_989 = arith.constant 0 : i32
        %dma_wait3A_990 = tpu.memref_slice %arg1[%dma_wait3A_984, %dma_wait3A_988, %dma_wait3A_989] : memref<2048x16x2048xf32, #tpu.memory_space<any>> -> memref<1x16x2048xf32, #tpu.memory_space<any>>
        %dma_wait3A_991 = tpu.memref_squeeze %dma_wait3A_990 : memref<1x16x2048xf32, #tpu.memory_space<any>> -> memref<16x2048xf32, #tpu.memory_space<any>>
        %dma_wait3A_992 = arith.constant 0 : i32
        %dma_wait3A_993 = arith.constant 0 : i32
        %dma_wait3A_994 = tpu.memref_slice %arg2[%dma_wait3A_983, %dma_wait3A_992, %dma_wait3A_993] : memref<128x16x3968xf32, #tpu.memory_space<vmem>> -> memref<1x16x2048xf32, #tpu.memory_space<vmem>>
        %dma_wait3A_995 = tpu.memref_squeeze %dma_wait3A_994 : memref<1x16x2048xf32, #tpu.memory_space<vmem>> -> memref<16x2048xf32, #tpu.memory_space<vmem>>
        tpu.wait_dma2 semaphore(%dma_wait3A_987 : memref<!tpu.dma_semaphore, #tpu.memory_space<semaphore_mem>>) src(%dma_wait3A_995 : memref<16x2048xf32, #tpu.memory_space<vmem>>) dst(%dma_wait3A_991 : memref<16x2048xf32, #tpu.memory_space<any>>)
        %dma_wait3A_996 = arith.constant 0 : i32
        %dma_wait3A_997 = arith.constant 0 : i32
        %dma_wait3A_998 = arith.constant 1 : i32
        %dma_wait3A_999 = tpu.memref_slice %arg3[%dma_wait3A_998] : memref<8x!tpu.dma_semaphore, #tpu.memory_space<semaphore_mem>> -> memref<1x!tpu.dma_semaphore, #tpu.memory_space<semaphore_mem>>
        %dma_wait3A_1000 = tpu.memref_squeeze %dma_wait3A_999 : memref<1x!tpu.dma_semaphore, #tpu.memory_space<semaphore_mem>> -> memref<!tpu.dma_semaphore, #tpu.memory_space<semaphore_mem>>
        %dma_wait3A_1001 = arith.constant 0 : i32
        %dma_wait3A_1002 = arith.constant 0 : i32
        %dma_wait3A_1003 = tpu.memref_slice %arg1[%dma_wait3A_997, %dma_wait3A_1001, %dma_wait3A_1002] : memref<2048x16x2048xf32, #tpu.memory_space<any>> -> memref<1x16x2048xf32, #tpu.memory_space<any>>
        %dma_wait3A_1004 = tpu.memref_squeeze %dma_wait3A_1003 : memref<1x16x2048xf32, #tpu.memory_space<any>> -> memref<16x2048xf32, #tpu.memory_space<any>>
        %dma_wait3A_1005 = arith.constant 0 : i32
        %dma_wait3A_1006 = arith.constant 0 : i32
        %dma_wait3A_1007 = tpu.memref_slice %arg2[%dma_wait3A_996, %dma_wait3A_1005, %dma_wait3A_1006] : memref<128x16x3968xf32, #tpu.memory_space<vmem>> -> memref<1x16x2048xf32, #tpu.memory_space<vmem>>
        %dma_wait3A_1008 = tpu.memref_squeeze %dma_wait3A_1007 : memref<1x16x2048xf32, #tpu.memory_space<vmem>> -> memref<16x2048xf32, #tpu.memory_space<vmem>>
        tpu.wait_dma2 semaphore(%dma_wait3A_1000 : memref<!tpu.dma_semaphore, #tpu.memory_space<semaphore_mem>>) src(%dma_wait3A_1008 : memref<16x2048xf32, #tpu.memory_space<vmem>>) dst(%dma_wait3A_1004 : memref<16x2048xf32, #tpu.memory_space<any>>)
        %dma_wait3A_1009 = arith.constant 0 : i32
        %dma_wait3A_1010 = arith.constant 0 : i32
        %dma_wait3A_1011 = arith.constant 2 : i32
        %dma_wait3A_1012 = tpu.memref_slice %arg3[%dma_wait3A_1011] : memref<8x!tpu.dma_semaphore, #tpu.memory_space<semaphore_mem>> -> memref<1x!tpu.dma_semaphore, #tpu.memory_space<semaphore_mem>>
        %dma_wait3A_1013 = tpu.memref_squeeze %dma_wait3A_1012 : memref<1x!tpu.dma_semaphore, #tpu.memory_space<semaphore_mem>> -> memref<!tpu.dma_semaphore, #tpu.memory_space<semaphore_mem>>
        %dma_wait3A_1014 = arith.constant 0 : i32
        %dma_wait3A_1015 = arith.constant 0 : i32
        %dma_wait3A_1016 = tpu.memref_slice %arg1[%dma_wait3A_1010, %dma_wait3A_1014, %dma_wait3A_1015] : memref<2048x16x2048xf32, #tpu.memory_space<any>> -> memref<1x16x2048xf32, #tpu.memory_space<any>>
        %dma_wait3A_1017 = tpu.memref_squeeze %dma_wait3A_1016 : memref<1x16x2048xf32, #tpu.memory_space<any>> -> memref<16x2048xf32, #tpu.memory_space<any>>
        %dma_wait3A_1018 = arith.constant 0 : i32
        %dma_wait3A_1019 = arith.constant 0 : i32
        %dma_wait3A_1020 = tpu.memref_slice %arg2[%dma_wait3A_1009, %dma_wait3A_1018, %dma_wait3A_1019] : memref<128x16x3968xf32, #tpu.memory_space<vmem>> -> memref<1x16x2048xf32, #tpu.memory_space<vmem>>
        %dma_wait3A_1021 = tpu.memref_squeeze %dma_wait3A_1020 : memref<1x16x2048xf32, #tpu.memory_space<vmem>> -> memref<16x2048xf32, #tpu.memory_space<vmem>>
        tpu.wait_dma2 semaphore(%dma_wait3A_1013 : memref<!tpu.dma_semaphore, #tpu.memory_space<semaphore_mem>>) src(%dma_wait3A_1021 : memref<16x2048xf32, #tpu.memory_space<vmem>>) dst(%dma_wait3A_1017 : memref<16x2048xf32, #tpu.memory_space<any>>)
        %dma_wait3A_1022 = arith.constant 0 : i32
        %dma_wait3A_1023 = arith.constant 0 : i32
        %dma_wait3A_1024 = arith.constant 3 : i32
        %dma_wait3A_1025 = tpu.memref_slice %arg3[%dma_wait3A_1024] : memref<8x!tpu.dma_semaphore, #tpu.memory_space<semaphore_mem>> -> memref<1x!tpu.dma_semaphore, #tpu.memory_space<semaphore_mem>>
        %dma_wait3A_1026 = tpu.memref_squeeze %dma_wait3A_1025 : memref<1x!tpu.dma_semaphore, #tpu.memory_space<semaphore_mem>> -> memref<!tpu.dma_semaphore, #tpu.memory_space<semaphore_mem>>
        %dma_wait3A_1027 = arith.constant 0 : i32
        %dma_wait3A_1028 = arith.constant 0 : i32
        %dma_wait3A_1029 = tpu.memref_slice %arg1[%dma_wait3A_1023, %dma_wait3A_1027, %dma_wait3A_1028] : memref<2048x16x2048xf32, #tpu.memory_space<any>> -> memref<1x16x2048xf32, #tpu.memory_space<any>>
        %dma_wait3A_1030 = tpu.memref_squeeze %dma_wait3A_1029 : memref<1x16x2048xf32, #tpu.memory_space<any>> -> memref<16x2048xf32, #tpu.memory_space<any>>
        %dma_wait3A_1031 = arith.constant 0 : i32
        %dma_wait3A_1032 = arith.constant 0 : i32
        %dma_wait3A_1033 = tpu.memref_slice %arg2[%dma_wait3A_1022, %dma_wait3A_1031, %dma_wait3A_1032] : memref<128x16x3968xf32, #tpu.memory_space<vmem>> -> memref<1x16x2048xf32, #tpu.memory_space<vmem>>
        %dma_wait3A_1034 = tpu.memref_squeeze %dma_wait3A_1033 : memref<1x16x2048xf32, #tpu.memory_space<vmem>> -> memref<16x2048xf32, #tpu.memory_space<vmem>>
        tpu.wait_dma2 semaphore(%dma_wait3A_1026 : memref<!tpu.dma_semaphore, #tpu.memory_space<semaphore_mem>>) src(%dma_wait3A_1034 : memref<16x2048xf32, #tpu.memory_space<vmem>>) dst(%dma_wait3A_1030 : memref<16x2048xf32, #tpu.memory_space<any>>)
        %dma_wait3A_1035 = arith.constant 0 : i32
        %dma_wait3A_1036 = arith.constant 0 : i32
        %dma_wait3A_1037 = arith.constant 4 : i32
        %dma_wait3A_1038 = tpu.memref_slice %arg3[%dma_wait3A_1037] : memref<8x!tpu.dma_semaphore, #tpu.memory_space<semaphore_mem>> -> memref<1x!tpu.dma_semaphore, #tpu.memory_space<semaphore_mem>>
        %dma_wait3A_1039 = tpu.memref_squeeze %dma_wait3A_1038 : memref<1x!tpu.dma_semaphore, #tpu.memory_space<semaphore_mem>> -> memref<!tpu.dma_semaphore, #tpu.memory_space<semaphore_mem>>
        %dma_wait3A_1040 = arith.constant 0 : i32
        %dma_wait3A_1041 = arith.constant 0 : i32
        %dma_wait3A_1042 = tpu.memref_slice %arg1[%dma_wait3A_1036, %dma_wait3A_1040, %dma_wait3A_1041] : memref<2048x16x2048xf32, #tpu.memory_space<any>> -> memref<1x16x2048xf32, #tpu.memory_space<any>>
        %dma_wait3A_1043 = tpu.memref_squeeze %dma_wait3A_1042 : memref<1x16x2048xf32, #tpu.memory_space<any>> -> memref<16x2048xf32, #tpu.memory_space<any>>
        %dma_wait3A_1044 = arith.constant 0 : i32
        %dma_wait3A_1045 = arith.constant 0 : i32
        %dma_wait3A_1046 = tpu.memref_slice %arg2[%dma_wait3A_1035, %dma_wait3A_1044, %dma_wait3A_1045] : memref<128x16x3968xf32, #tpu.memory_space<vmem>> -> memref<1x16x2048xf32, #tpu.memory_space<vmem>>
        %dma_wait3A_1047 = tpu.memref_squeeze %dma_wait3A_1046 : memref<1x16x2048xf32, #tpu.memory_space<vmem>> -> memref<16x2048xf32, #tpu.memory_space<vmem>>
        tpu.wait_dma2 semaphore(%dma_wait3A_1039 : memref<!tpu.dma_semaphore, #tpu.memory_space<semaphore_mem>>) src(%dma_wait3A_1047 : memref<16x2048xf32, #tpu.memory_space<vmem>>) dst(%dma_wait3A_1043 : memref<16x2048xf32, #tpu.memory_space<any>>)
        %dma_wait3A_1048 = arith.constant 0 : i32
        %dma_wait3A_1049 = arith.constant 0 : i32
        %dma_wait3A_1050 = arith.constant 5 : i32
        %dma_wait3A_1051 = tpu.memref_slice %arg3[%dma_wait3A_1050] : memref<8x!tpu.dma_semaphore, #tpu.memory_space<semaphore_mem>> -> memref<1x!tpu.dma_semaphore, #tpu.memory_space<semaphore_mem>>
        %dma_wait3A_1052 = tpu.memref_squeeze %dma_wait3A_1051 : memref<1x!tpu.dma_semaphore, #tpu.memory_space<semaphore_mem>> -> memref<!tpu.dma_semaphore, #tpu.memory_space<semaphore_mem>>
        %dma_wait3A_1053 = arith.constant 0 : i32
        %dma_wait3A_1054 = arith.constant 0 : i32
        %dma_wait3A_1055 = tpu.memref_slice %arg1[%dma_wait3A_1049, %dma_wait3A_1053, %dma_wait3A_1054] : memref<2048x16x2048xf32, #tpu.memory_space<any>> -> memref<1x16x2048xf32, #tpu.memory_space<any>>
        %dma_wait3A_1056 = tpu.memref_squeeze %dma_wait3A_1055 : memref<1x16x2048xf32, #tpu.memory_space<any>> -> memref<16x2048xf32, #tpu.memory_space<any>>
        %dma_wait3A_1057 = arith.constant 0 : i32
        %dma_wait3A_1058 = arith.constant 0 : i32
        %dma_wait3A_1059 = tpu.memref_slice %arg2[%dma_wait3A_1048, %dma_wait3A_1057, %dma_wait3A_1058] : memref<128x16x3968xf32, #tpu.memory_space<vmem>> -> memref<1x16x2048xf32, #tpu.memory_space<vmem>>
        %dma_wait3A_1060 = tpu.memref_squeeze %dma_wait3A_1059 : memref<1x16x2048xf32, #tpu.memory_space<vmem>> -> memref<16x2048xf32, #tpu.memory_space<vmem>>
        tpu.wait_dma2 semaphore(%dma_wait3A_1052 : memref<!tpu.dma_semaphore, #tpu.memory_space<semaphore_mem>>) src(%dma_wait3A_1060 : memref<16x2048xf32, #tpu.memory_space<vmem>>) dst(%dma_wait3A_1056 : memref<16x2048xf32, #tpu.memory_space<any>>)
        %dma_wait3A_1061 = arith.constant 0 : i32
        %dma_wait3A_1062 = arith.constant 0 : i32
        %dma_wait3A_1063 = arith.constant 6 : i32
        %dma_wait3A_1064 = tpu.memref_slice %arg3[%dma_wait3A_1063] : memref<8x!tpu.dma_semaphore, #tpu.memory_space<semaphore_mem>> -> memref<1x!tpu.dma_semaphore, #tpu.memory_space<semaphore_mem>>
        %dma_wait3A_1065 = tpu.memref_squeeze %dma_wait3A_1064 : memref<1x!tpu.dma_semaphore, #tpu.memory_space<semaphore_mem>> -> memref<!tpu.dma_semaphore, #tpu.memory_space<semaphore_mem>>
        %dma_wait3A_1066 = arith.constant 0 : i32
        %dma_wait3A_1067 = arith.constant 0 : i32
        %dma_wait3A_1068 = tpu.memref_slice %arg1[%dma_wait3A_1062, %dma_wait3A_1066, %dma_wait3A_1067] : memref<2048x16x2048xf32, #tpu.memory_space<any>> -> memref<1x16x2048xf32, #tpu.memory_space<any>>
        %dma_wait3A_1069 = tpu.memref_squeeze %dma_wait3A_1068 : memref<1x16x2048xf32, #tpu.memory_space<any>> -> memref<16x2048xf32, #tpu.memory_space<any>>
        %dma_wait3A_1070 = arith.constant 0 : i32
        %dma_wait3A_1071 = arith.constant 0 : i32
        %dma_wait3A_1072 = tpu.memref_slice %arg2[%dma_wait3A_1061, %dma_wait3A_1070, %dma_wait3A_1071] : memref<128x16x3968xf32, #tpu.memory_space<vmem>> -> memref<1x16x2048xf32, #tpu.memory_space<vmem>>
        %dma_wait3A_1073 = tpu.memref_squeeze %dma_wait3A_1072 : memref<1x16x2048xf32, #tpu.memory_space<vmem>> -> memref<16x2048xf32, #tpu.memory_space<vmem>>
        tpu.wait_dma2 semaphore(%dma_wait3A_1065 : memref<!tpu.dma_semaphore, #tpu.memory_space<semaphore_mem>>) src(%dma_wait3A_1073 : memref<16x2048xf32, #tpu.memory_space<vmem>>) dst(%dma_wait3A_1069 : memref<16x2048xf32, #tpu.memory_space<any>>)
        %dma_wait3A_1074 = arith.constant 0 : i32
        %dma_wait3A_1075 = arith.constant 0 : i32
        %dma_wait3A_1076 = arith.constant 7 : i32
        %dma_wait3A_1077 = tpu.memref_slice %arg3[%dma_wait3A_1076] : memref<8x!tpu.dma_semaphore, #tpu.memory_space<semaphore_mem>> -> memref<1x!tpu.dma_semaphore, #tpu.memory_space<semaphore_mem>>
        %dma_wait3A_1078 = tpu.memref_squeeze %dma_wait3A_1077 : memref<1x!tpu.dma_semaphore, #tpu.memory_space<semaphore_mem>> -> memref<!tpu.dma_semaphore, #tpu.memory_space<semaphore_mem>>
        %dma_wait3A_1079 = arith.constant 0 : i32
        %dma_wait3A_1080 = arith.constant 0 : i32
        %dma_wait3A_1081 = tpu.memref_slice %arg1[%dma_wait3A_1075, %dma_wait3A_1079, %dma_wait3A_1080] : memref<2048x16x2048xf32, #tpu.memory_space<any>> -> memref<1x16x2048xf32, #tpu.memory_space<any>>
        %dma_wait3A_1082 = tpu.memref_squeeze %dma_wait3A_1081 : memref<1x16x2048xf32, #tpu.memory_space<any>> -> memref<16x2048xf32, #tpu.memory_space<any>>
        %dma_wait3A_1083 = arith.constant 0 : i32
        %dma_wait3A_1084 = arith.constant 0 : i32
        %dma_wait3A_1085 = tpu.memref_slice %arg2[%dma_wait3A_1074, %dma_wait3A_1083, %dma_wait3A_1084] : memref<128x16x3968xf32, #tpu.memory_space<vmem>> -> memref<1x16x2048xf32, #tpu.memory_space<vmem>>
        %dma_wait3A_1086 = tpu.memref_squeeze %dma_wait3A_1085 : memref<1x16x2048xf32, #tpu.memory_space<vmem>> -> memref<16x2048xf32, #tpu.memory_space<vmem>>
        tpu.wait_dma2 semaphore(%dma_wait3A_1078 : memref<!tpu.dma_semaphore, #tpu.memory_space<semaphore_mem>>) src(%dma_wait3A_1086 : memref<16x2048xf32, #tpu.memory_space<vmem>>) dst(%dma_wait3A_1082 : memref<16x2048xf32, #tpu.memory_space<any>>)
      } else {
      }
    }
    %scan3A_3 = arith.constant 128 : i32
    %scan3A_4 = arith.constant 0 : i32
    %dma_wait3A = arith.constant 0 : i32
    %dma_wait3A_5 = arith.constant 0 : i32
    %dma_wait3A_6 = arith.constant 0 : i32
    %dma_wait3A_7 = tpu.memref_slice %arg3[%dma_wait3A_6] : memref<8x!tpu.dma_semaphore, #tpu.memory_space<semaphore_mem>> -> memref<1x!tpu.dma_semaphore, #tpu.memory_space<semaphore_mem>>
    %dma_wait3A_8 = tpu.memref_squeeze %dma_wait3A_7 : memref<1x!tpu.dma_semaphore, #tpu.memory_space<semaphore_mem>> -> memref<!tpu.dma_semaphore, #tpu.memory_space<semaphore_mem>>
    %dma_wait3A_9 = arith.constant 0 : i32
    %dma_wait3A_10 = arith.constant 0 : i32
    %dma_wait3A_11 = tpu.memref_slice %arg1[%dma_wait3A_5, %dma_wait3A_9, %dma_wait3A_10] : memref<2048x16x2048xf32, #tpu.memory_space<any>> -> memref<1x16x2048xf32, #tpu.memory_space<any>>
    %dma_wait3A_12 = tpu.memref_squeeze %dma_wait3A_11 : memref<1x16x2048xf32, #tpu.memory_space<any>> -> memref<16x2048xf32, #tpu.memory_space<any>>
    %dma_wait3A_13 = arith.constant 0 : i32
    %dma_wait3A_14 = arith.constant 0 : i32
    %dma_wait3A_15 = tpu.memref_slice %arg2[%dma_wait3A, %dma_wait3A_13, %dma_wait3A_14] : memref<128x16x3968xf32, #tpu.memory_space<vmem>> -> memref<1x16x2048xf32, #tpu.memory_space<vmem>>
    %dma_wait3A_16 = tpu.memref_squeeze %dma_wait3A_15 : memref<1x16x2048xf32, #tpu.memory_space<vmem>> -> memref<16x2048xf32, #tpu.memory_space<vmem>>
    tpu.wait_dma2 semaphore(%dma_wait3A_8 : memref<!tpu.dma_semaphore, #tpu.memory_space<semaphore_mem>>) src(%dma_wait3A_16 : memref<16x2048xf32, #tpu.memory_space<vmem>>) dst(%dma_wait3A_12 : memref<16x2048xf32, #tpu.memory_space<any>>)
    %dma_wait3A_17 = arith.constant 0 : i32
    %dma_wait3A_18 = arith.constant 0 : i32
    %dma_wait3A_19 = arith.constant 1 : i32
    %dma_wait3A_20 = tpu.memref_slice %arg3[%dma_wait3A_19] : memref<8x!tpu.dma_semaphore, #tpu.memory_space<semaphore_mem>> -> memref<1x!tpu.dma_semaphore, #tpu.memory_space<semaphore_mem>>
    %dma_wait3A_21 = tpu.memref_squeeze %dma_wait3A_20 : memref<1x!tpu.dma_semaphore, #tpu.memory_space<semaphore_mem>> -> memref<!tpu.dma_semaphore, #tpu.memory_space<semaphore_mem>>
    %dma_wait3A_22 = arith.constant 0 : i32
    %dma_wait3A_23 = arith.constant 0 : i32
    %dma_wait3A_24 = tpu.memref_slice %arg1[%dma_wait3A_18, %dma_wait3A_22, %dma_wait3A_23] : memref<2048x16x2048xf32, #tpu.memory_space<any>> -> memref<1x16x2048xf32, #tpu.memory_space<any>>
    %dma_wait3A_25 = tpu.memref_squeeze %dma_wait3A_24 : memref<1x16x2048xf32, #tpu.memory_space<any>> -> memref<16x2048xf32, #tpu.memory_space<any>>
    %dma_wait3A_26 = arith.constant 0 : i32
    %dma_wait3A_27 = arith.constant 0 : i32
    %dma_wait3A_28 = tpu.memref_slice %arg2[%dma_wait3A_17, %dma_wait3A_26, %dma_wait3A_27] : memref<128x16x3968xf32, #tpu.memory_space<vmem>> -> memref<1x16x2048xf32, #tpu.memory_space<vmem>>
    %dma_wait3A_29 = tpu.memref_squeeze %dma_wait3A_28 : memref<1x16x2048xf32, #tpu.memory_space<vmem>> -> memref<16x2048xf32, #tpu.memory_space<vmem>>
    tpu.wait_dma2 semaphore(%dma_wait3A_21 : memref<!tpu.dma_semaphore, #tpu.memory_space<semaphore_mem>>) src(%dma_wait3A_29 : memref<16x2048xf32, #tpu.memory_space<vmem>>) dst(%dma_wait3A_25 : memref<16x2048xf32, #tpu.memory_space<any>>)
    %dma_wait3A_30 = arith.constant 0 : i32
    %dma_wait3A_31 = arith.constant 0 : i32
    %dma_wait3A_32 = arith.constant 2 : i32
    %dma_wait3A_33 = tpu.memref_slice %arg3[%dma_wait3A_32] : memref<8x!tpu.dma_semaphore, #tpu.memory_space<semaphore_mem>> -> memref<1x!tpu.dma_semaphore, #tpu.memory_space<semaphore_mem>>
    %dma_wait3A_34 = tpu.memref_squeeze %dma_wait3A_33 : memref<1x!tpu.dma_semaphore, #tpu.memory_space<semaphore_mem>> -> memref<!tpu.dma_semaphore, #tpu.memory_space<semaphore_mem>>
    %dma_wait3A_35 = arith.constant 0 : i32
    %dma_wait3A_36 = arith.constant 0 : i32
    %dma_wait3A_37 = tpu.memref_slice %arg1[%dma_wait3A_31, %dma_wait3A_35, %dma_wait3A_36] : memref<2048x16x2048xf32, #tpu.memory_space<any>> -> memref<1x16x2048xf32, #tpu.memory_space<any>>
    %dma_wait3A_38 = tpu.memref_squeeze %dma_wait3A_37 : memref<1x16x2048xf32, #tpu.memory_space<any>> -> memref<16x2048xf32, #tpu.memory_space<any>>
    %dma_wait3A_39 = arith.constant 0 : i32
    %dma_wait3A_40 = arith.constant 0 : i32
    %dma_wait3A_41 = tpu.memref_slice %arg2[%dma_wait3A_30, %dma_wait3A_39, %dma_wait3A_40] : memref<128x16x3968xf32, #tpu.memory_space<vmem>> -> memref<1x16x2048xf32, #tpu.memory_space<vmem>>
    %dma_wait3A_42 = tpu.memref_squeeze %dma_wait3A_41 : memref<1x16x2048xf32, #tpu.memory_space<vmem>> -> memref<16x2048xf32, #tpu.memory_space<vmem>>
    tpu.wait_dma2 semaphore(%dma_wait3A_34 : memref<!tpu.dma_semaphore, #tpu.memory_space<semaphore_mem>>) src(%dma_wait3A_42 : memref<16x2048xf32, #tpu.memory_space<vmem>>) dst(%dma_wait3A_38 : memref<16x2048xf32, #tpu.memory_space<any>>)
    %dma_wait3A_43 = arith.constant 0 : i32
    %dma_wait3A_44 = arith.constant 0 : i32
    %dma_wait3A_45 = arith.constant 3 : i32
    %dma_wait3A_46 = tpu.memref_slice %arg3[%dma_wait3A_45] : memref<8x!tpu.dma_semaphore, #tpu.memory_space<semaphore_mem>> -> memref<1x!tpu.dma_semaphore, #tpu.memory_space<semaphore_mem>>
    %dma_wait3A_47 = tpu.memref_squeeze %dma_wait3A_46 : memref<1x!tpu.dma_semaphore, #tpu.memory_space<semaphore_mem>> -> memref<!tpu.dma_semaphore, #tpu.memory_space<semaphore_mem>>
    %dma_wait3A_48 = arith.constant 0 : i32
    %dma_wait3A_49 = arith.constant 0 : i32
    %dma_wait3A_50 = tpu.memref_slice %arg1[%dma_wait3A_44, %dma_wait3A_48, %dma_wait3A_49] : memref<2048x16x2048xf32, #tpu.memory_space<any>> -> memref<1x16x2048xf32, #tpu.memory_space<any>>
    %dma_wait3A_51 = tpu.memref_squeeze %dma_wait3A_50 : memref<1x16x2048xf32, #tpu.memory_space<any>> -> memref<16x2048xf32, #tpu.memory_space<any>>
    %dma_wait3A_52 = arith.constant 0 : i32
    %dma_wait3A_53 = arith.constant 0 : i32
    %dma_wait3A_54 = tpu.memref_slice %arg2[%dma_wait3A_43, %dma_wait3A_52, %dma_wait3A_53] : memref<128x16x3968xf32, #tpu.memory_space<vmem>> -> memref<1x16x2048xf32, #tpu.memory_space<vmem>>
    %dma_wait3A_55 = tpu.memref_squeeze %dma_wait3A_54 : memref<1x16x2048xf32, #tpu.memory_space<vmem>> -> memref<16x2048xf32, #tpu.memory_space<vmem>>
    tpu.wait_dma2 semaphore(%dma_wait3A_47 : memref<!tpu.dma_semaphore, #tpu.memory_space<semaphore_mem>>) src(%dma_wait3A_55 : memref<16x2048xf32, #tpu.memory_space<vmem>>) dst(%dma_wait3A_51 : memref<16x2048xf32, #tpu.memory_space<any>>)
    %dma_wait3A_56 = arith.constant 0 : i32
    %dma_wait3A_57 = arith.constant 0 : i32
    %dma_wait3A_58 = arith.constant 4 : i32
    %dma_wait3A_59 = tpu.memref_slice %arg3[%dma_wait3A_58] : memref<8x!tpu.dma_semaphore, #tpu.memory_space<semaphore_mem>> -> memref<1x!tpu.dma_semaphore, #tpu.memory_space<semaphore_mem>>
    %dma_wait3A_60 = tpu.memref_squeeze %dma_wait3A_59 : memref<1x!tpu.dma_semaphore, #tpu.memory_space<semaphore_mem>> -> memref<!tpu.dma_semaphore, #tpu.memory_space<semaphore_mem>>
    %dma_wait3A_61 = arith.constant 0 : i32
    %dma_wait3A_62 = arith.constant 0 : i32
    %dma_wait3A_63 = tpu.memref_slice %arg1[%dma_wait3A_57, %dma_wait3A_61, %dma_wait3A_62] : memref<2048x16x2048xf32, #tpu.memory_space<any>> -> memref<1x16x2048xf32, #tpu.memory_space<any>>
    %dma_wait3A_64 = tpu.memref_squeeze %dma_wait3A_63 : memref<1x16x2048xf32, #tpu.memory_space<any>> -> memref<16x2048xf32, #tpu.memory_space<any>>
    %dma_wait3A_65 = arith.constant 0 : i32
    %dma_wait3A_66 = arith.constant 0 : i32
    %dma_wait3A_67 = tpu.memref_slice %arg2[%dma_wait3A_56, %dma_wait3A_65, %dma_wait3A_66] : memref<128x16x3968xf32, #tpu.memory_space<vmem>> -> memref<1x16x2048xf32, #tpu.memory_space<vmem>>
    %dma_wait3A_68 = tpu.memref_squeeze %dma_wait3A_67 : memref<1x16x2048xf32, #tpu.memory_space<vmem>> -> memref<16x2048xf32, #tpu.memory_space<vmem>>
    tpu.wait_dma2 semaphore(%dma_wait3A_60 : memref<!tpu.dma_semaphore, #tpu.memory_space<semaphore_mem>>) src(%dma_wait3A_68 : memref<16x2048xf32, #tpu.memory_space<vmem>>) dst(%dma_wait3A_64 : memref<16x2048xf32, #tpu.memory_space<any>>)
    %dma_wait3A_69 = arith.constant 0 : i32
    %dma_wait3A_70 = arith.constant 0 : i32
    %dma_wait3A_71 = arith.constant 5 : i32
    %dma_wait3A_72 = tpu.memref_slice %arg3[%dma_wait3A_71] : memref<8x!tpu.dma_semaphore, #tpu.memory_space<semaphore_mem>> -> memref<1x!tpu.dma_semaphore, #tpu.memory_space<semaphore_mem>>
    %dma_wait3A_73 = tpu.memref_squeeze %dma_wait3A_72 : memref<1x!tpu.dma_semaphore, #tpu.memory_space<semaphore_mem>> -> memref<!tpu.dma_semaphore, #tpu.memory_space<semaphore_mem>>
    %dma_wait3A_74 = arith.constant 0 : i32
    %dma_wait3A_75 = arith.constant 0 : i32
    %dma_wait3A_76 = tpu.memref_slice %arg1[%dma_wait3A_70, %dma_wait3A_74, %dma_wait3A_75] : memref<2048x16x2048xf32, #tpu.memory_space<any>> -> memref<1x16x2048xf32, #tpu.memory_space<any>>
    %dma_wait3A_77 = tpu.memref_squeeze %dma_wait3A_76 : memref<1x16x2048xf32, #tpu.memory_space<any>> -> memref<16x2048xf32, #tpu.memory_space<any>>
    %dma_wait3A_78 = arith.constant 0 : i32
    %dma_wait3A_79 = arith.constant 0 : i32
    %dma_wait3A_80 = tpu.memref_slice %arg2[%dma_wait3A_69, %dma_wait3A_78, %dma_wait3A_79] : memref<128x16x3968xf32, #tpu.memory_space<vmem>> -> memref<1x16x2048xf32, #tpu.memory_space<vmem>>
    %dma_wait3A_81 = tpu.memref_squeeze %dma_wait3A_80 : memref<1x16x2048xf32, #tpu.memory_space<vmem>> -> memref<16x2048xf32, #tpu.memory_space<vmem>>
    tpu.wait_dma2 semaphore(%dma_wait3A_73 : memref<!tpu.dma_semaphore, #tpu.memory_space<semaphore_mem>>) src(%dma_wait3A_81 : memref<16x2048xf32, #tpu.memory_space<vmem>>) dst(%dma_wait3A_77 : memref<16x2048xf32, #tpu.memory_space<any>>)
    %dma_wait3A_82 = arith.constant 0 : i32
    %dma_wait3A_83 = arith.constant 0 : i32
    %dma_wait3A_84 = arith.constant 6 : i32
    %dma_wait3A_85 = tpu.memref_slice %arg3[%dma_wait3A_84] : memref<8x!tpu.dma_semaphore, #tpu.memory_space<semaphore_mem>> -> memref<1x!tpu.dma_semaphore, #tpu.memory_space<semaphore_mem>>
    %dma_wait3A_86 = tpu.memref_squeeze %dma_wait3A_85 : memref<1x!tpu.dma_semaphore, #tpu.memory_space<semaphore_mem>> -> memref<!tpu.dma_semaphore, #tpu.memory_space<semaphore_mem>>
    %dma_wait3A_87 = arith.constant 0 : i32
    %dma_wait3A_88 = arith.constant 0 : i32
    %dma_wait3A_89 = tpu.memref_slice %arg1[%dma_wait3A_83, %dma_wait3A_87, %dma_wait3A_88] : memref<2048x16x2048xf32, #tpu.memory_space<any>> -> memref<1x16x2048xf32, #tpu.memory_space<any>>
    %dma_wait3A_90 = tpu.memref_squeeze %dma_wait3A_89 : memref<1x16x2048xf32, #tpu.memory_space<any>> -> memref<16x2048xf32, #tpu.memory_space<any>>
    %dma_wait3A_91 = arith.constant 0 : i32
    %dma_wait3A_92 = arith.constant 0 : i32
    %dma_wait3A_93 = tpu.memref_slice %arg2[%dma_wait3A_82, %dma_wait3A_91, %dma_wait3A_92] : memref<128x16x3968xf32, #tpu.memory_space<vmem>> -> memref<1x16x2048xf32, #tpu.memory_space<vmem>>
    %dma_wait3A_94 = tpu.memref_squeeze %dma_wait3A_93 : memref<1x16x2048xf32, #tpu.memory_space<vmem>> -> memref<16x2048xf32, #tpu.memory_space<vmem>>
    tpu.wait_dma2 semaphore(%dma_wait3A_86 : memref<!tpu.dma_semaphore, #tpu.memory_space<semaphore_mem>>) src(%dma_wait3A_94 : memref<16x2048xf32, #tpu.memory_space<vmem>>) dst(%dma_wait3A_90 : memref<16x2048xf32, #tpu.memory_space<any>>)
    %dma_wait3A_95 = arith.constant 0 : i32
    %dma_wait3A_96 = arith.constant 0 : i32
    %dma_wait3A_97 = arith.constant 7 : i32
    %dma_wait3A_98 = tpu.memref_slice %arg3[%dma_wait3A_97] : memref<8x!tpu.dma_semaphore, #tpu.memory_space<semaphore_mem>> -> memref<1x!tpu.dma_semaphore, #tpu.memory_space<semaphore_mem>>
    %dma_wait3A_99 = tpu.memref_squeeze %dma_wait3A_98 : memref<1x!tpu.dma_semaphore, #tpu.memory_space<semaphore_mem>> -> memref<!tpu.dma_semaphore, #tpu.memory_space<semaphore_mem>>
    %dma_wait3A_100 = arith.constant 0 : i32
    %dma_wait3A_101 = arith.constant 0 : i32
    %dma_wait3A_102 = tpu.memref_slice %arg1[%dma_wait3A_96, %dma_wait3A_100, %dma_wait3A_101] : memref<2048x16x2048xf32, #tpu.memory_space<any>> -> memref<1x16x2048xf32, #tpu.memory_space<any>>
    %dma_wait3A_103 = tpu.memref_squeeze %dma_wait3A_102 : memref<1x16x2048xf32, #tpu.memory_space<any>> -> memref<16x2048xf32, #tpu.memory_space<any>>
    %dma_wait3A_104 = arith.constant 0 : i32
    %dma_wait3A_105 = arith.constant 0 : i32
    %dma_wait3A_106 = tpu.memref_slice %arg2[%dma_wait3A_95, %dma_wait3A_104, %dma_wait3A_105] : memref<128x16x3968xf32, #tpu.memory_space<vmem>> -> memref<1x16x2048xf32, #tpu.memory_space<vmem>>
    %dma_wait3A_107 = tpu.memref_squeeze %dma_wait3A_106 : memref<1x16x2048xf32, #tpu.memory_space<vmem>> -> memref<16x2048xf32, #tpu.memory_space<vmem>>
    tpu.wait_dma2 semaphore(%dma_wait3A_99 : memref<!tpu.dma_semaphore, #tpu.memory_space<semaphore_mem>>) src(%dma_wait3A_107 : memref<16x2048xf32, #tpu.memory_space<vmem>>) dst(%dma_wait3A_103 : memref<16x2048xf32, #tpu.memory_space<any>>)
    %dma_wait3A_108 = arith.constant 0 : i32
    %dma_wait3A_109 = arith.constant 0 : i32
    %dma_wait3A_110 = arith.constant 0 : i32
    %dma_wait3A_111 = tpu.memref_slice %arg3[%dma_wait3A_110] : memref<8x!tpu.dma_semaphore, #tpu.memory_space<semaphore_mem>> -> memref<1x!tpu.dma_semaphore, #tpu.memory_space<semaphore_mem>>
    %dma_wait3A_112 = tpu.memref_squeeze %dma_wait3A_111 : memref<1x!tpu.dma_semaphore, #tpu.memory_space<semaphore_mem>> -> memref<!tpu.dma_semaphore, #tpu.memory_space<semaphore_mem>>
    %dma_wait3A_113 = arith.constant 0 : i32
    %dma_wait3A_114 = arith.constant 0 : i32
    %dma_wait3A_115 = tpu.memref_slice %arg1[%dma_wait3A_109, %dma_wait3A_113, %dma_wait3A_114] : memref<2048x16x2048xf32, #tpu.memory_space<any>> -> memref<1x16x2048xf32, #tpu.memory_space<any>>
    %dma_wait3A_116 = tpu.memref_squeeze %dma_wait3A_115 : memref<1x16x2048xf32, #tpu.memory_space<any>> -> memref<16x2048xf32, #tpu.memory_space<any>>
    %dma_wait3A_117 = arith.constant 0 : i32
    %dma_wait3A_118 = arith.constant 0 : i32
    %dma_wait3A_119 = tpu.memref_slice %arg2[%dma_wait3A_108, %dma_wait3A_117, %dma_wait3A_118] : memref<128x16x3968xf32, #tpu.memory_space<vmem>> -> memref<1x16x2048xf32, #tpu.memory_space<vmem>>
    %dma_wait3A_120 = tpu.memref_squeeze %dma_wait3A_119 : memref<1x16x2048xf32, #tpu.memory_space<vmem>> -> memref<16x2048xf32, #tpu.memory_space<vmem>>
    tpu.wait_dma2 semaphore(%dma_wait3A_112 : memref<!tpu.dma_semaphore, #tpu.memory_space<semaphore_mem>>) src(%dma_wait3A_120 : memref<16x2048xf32, #tpu.memory_space<vmem>>) dst(%dma_wait3A_116 : memref<16x2048xf32, #tpu.memory_space<any>>)
    %dma_wait3A_121 = arith.constant 0 : i32
    %dma_wait3A_122 = arith.constant 0 : i32
    %dma_wait3A_123 = arith.constant 1 : i32
    %dma_wait3A_124 = tpu.memref_slice %arg3[%dma_wait3A_123] : memref<8x!tpu.dma_semaphore, #tpu.memory_space<semaphore_mem>> -> memref<1x!tpu.dma_semaphore, #tpu.memory_space<semaphore_mem>>
    %dma_wait3A_125 = tpu.memref_squeeze %dma_wait3A_124 : memref<1x!tpu.dma_semaphore, #tpu.memory_space<semaphore_mem>> -> memref<!tpu.dma_semaphore, #tpu.memory_space<semaphore_mem>>
    %dma_wait3A_126 = arith.constant 0 : i32
    %dma_wait3A_127 = arith.constant 0 : i32
    %dma_wait3A_128 = tpu.memref_slice %arg1[%dma_wait3A_122, %dma_wait3A_126, %dma_wait3A_127] : memref<2048x16x2048xf32, #tpu.memory_space<any>> -> memref<1x16x2048xf32, #tpu.memory_space<any>>
    %dma_wait3A_129 = tpu.memref_squeeze %dma_wait3A_128 : memref<1x16x2048xf32, #tpu.memory_space<any>> -> memref<16x2048xf32, #tpu.memory_space<any>>
    %dma_wait3A_130 = arith.constant 0 : i32
    %dma_wait3A_131 = arith.constant 0 : i32
    %dma_wait3A_132 = tpu.memref_slice %arg2[%dma_wait3A_121, %dma_wait3A_130, %dma_wait3A_131] : memref<128x16x3968xf32, #tpu.memory_space<vmem>> -> memref<1x16x2048xf32, #tpu.memory_space<vmem>>
    %dma_wait3A_133 = tpu.memref_squeeze %dma_wait3A_132 : memref<1x16x2048xf32, #tpu.memory_space<vmem>> -> memref<16x2048xf32, #tpu.memory_space<vmem>>
    tpu.wait_dma2 semaphore(%dma_wait3A_125 : memref<!tpu.dma_semaphore, #tpu.memory_space<semaphore_mem>>) src(%dma_wait3A_133 : memref<16x2048xf32, #tpu.memory_space<vmem>>) dst(%dma_wait3A_129 : memref<16x2048xf32, #tpu.memory_space<any>>)
    %dma_wait3A_134 = arith.constant 0 : i32
    %dma_wait3A_135 = arith.constant 0 : i32
    %dma_wait3A_136 = arith.constant 2 : i32
    %dma_wait3A_137 = tpu.memref_slice %arg3[%dma_wait3A_136] : memref<8x!tpu.dma_semaphore, #tpu.memory_space<semaphore_mem>> -> memref<1x!tpu.dma_semaphore, #tpu.memory_space<semaphore_mem>>
    %dma_wait3A_138 = tpu.memref_squeeze %dma_wait3A_137 : memref<1x!tpu.dma_semaphore, #tpu.memory_space<semaphore_mem>> -> memref<!tpu.dma_semaphore, #tpu.memory_space<semaphore_mem>>
    %dma_wait3A_139 = arith.constant 0 : i32
    %dma_wait3A_140 = arith.constant 0 : i32
    %dma_wait3A_141 = tpu.memref_slice %arg1[%dma_wait3A_135, %dma_wait3A_139, %dma_wait3A_140] : memref<2048x16x2048xf32, #tpu.memory_space<any>> -> memref<1x16x2048xf32, #tpu.memory_space<any>>
    %dma_wait3A_142 = tpu.memref_squeeze %dma_wait3A_141 : memref<1x16x2048xf32, #tpu.memory_space<any>> -> memref<16x2048xf32, #tpu.memory_space<any>>
    %dma_wait3A_143 = arith.constant 0 : i32
    %dma_wait3A_144 = arith.constant 0 : i32
    %dma_wait3A_145 = tpu.memref_slice %arg2[%dma_wait3A_134, %dma_wait3A_143, %dma_wait3A_144] : memref<128x16x3968xf32, #tpu.memory_space<vmem>> -> memref<1x16x2048xf32, #tpu.memory_space<vmem>>
    %dma_wait3A_146 = tpu.memref_squeeze %dma_wait3A_145 : memref<1x16x2048xf32, #tpu.memory_space<vmem>> -> memref<16x2048xf32, #tpu.memory_space<vmem>>
    tpu.wait_dma2 semaphore(%dma_wait3A_138 : memref<!tpu.dma_semaphore, #tpu.memory_space<semaphore_mem>>) src(%dma_wait3A_146 : memref<16x2048xf32, #tpu.memory_space<vmem>>) dst(%dma_wait3A_142 : memref<16x2048xf32, #tpu.memory_space<any>>)
    %dma_wait3A_147 = arith.constant 0 : i32
    %dma_wait3A_148 = arith.constant 0 : i32
    %dma_wait3A_149 = arith.constant 3 : i32
    %dma_wait3A_150 = tpu.memref_slice %arg3[%dma_wait3A_149] : memref<8x!tpu.dma_semaphore, #tpu.memory_space<semaphore_mem>> -> memref<1x!tpu.dma_semaphore, #tpu.memory_space<semaphore_mem>>
    %dma_wait3A_151 = tpu.memref_squeeze %dma_wait3A_150 : memref<1x!tpu.dma_semaphore, #tpu.memory_space<semaphore_mem>> -> memref<!tpu.dma_semaphore, #tpu.memory_space<semaphore_mem>>
    %dma_wait3A_152 = arith.constant 0 : i32
    %dma_wait3A_153 = arith.constant 0 : i32
    %dma_wait3A_154 = tpu.memref_slice %arg1[%dma_wait3A_148, %dma_wait3A_152, %dma_wait3A_153] : memref<2048x16x2048xf32, #tpu.memory_space<any>> -> memref<1x16x2048xf32, #tpu.memory_space<any>>
    %dma_wait3A_155 = tpu.memref_squeeze %dma_wait3A_154 : memref<1x16x2048xf32, #tpu.memory_space<any>> -> memref<16x2048xf32, #tpu.memory_space<any>>
    %dma_wait3A_156 = arith.constant 0 : i32
    %dma_wait3A_157 = arith.constant 0 : i32
    %dma_wait3A_158 = tpu.memref_slice %arg2[%dma_wait3A_147, %dma_wait3A_156, %dma_wait3A_157] : memref<128x16x3968xf32, #tpu.memory_space<vmem>> -> memref<1x16x2048xf32, #tpu.memory_space<vmem>>
    %dma_wait3A_159 = tpu.memref_squeeze %dma_wait3A_158 : memref<1x16x2048xf32, #tpu.memory_space<vmem>> -> memref<16x2048xf32, #tpu.memory_space<vmem>>
    tpu.wait_dma2 semaphore(%dma_wait3A_151 : memref<!tpu.dma_semaphore, #tpu.memory_space<semaphore_mem>>) src(%dma_wait3A_159 : memref<16x2048xf32, #tpu.memory_space<vmem>>) dst(%dma_wait3A_155 : memref<16x2048xf32, #tpu.memory_space<any>>)
    %dma_wait3A_160 = arith.constant 0 : i32
    %dma_wait3A_161 = arith.constant 0 : i32
    %dma_wait3A_162 = arith.constant 4 : i32
    %dma_wait3A_163 = tpu.memref_slice %arg3[%dma_wait3A_162] : memref<8x!tpu.dma_semaphore, #tpu.memory_space<semaphore_mem>> -> memref<1x!tpu.dma_semaphore, #tpu.memory_space<semaphore_mem>>
    %dma_wait3A_164 = tpu.memref_squeeze %dma_wait3A_163 : memref<1x!tpu.dma_semaphore, #tpu.memory_space<semaphore_mem>> -> memref<!tpu.dma_semaphore, #tpu.memory_space<semaphore_mem>>
    %dma_wait3A_165 = arith.constant 0 : i32
    %dma_wait3A_166 = arith.constant 0 : i32
    %dma_wait3A_167 = tpu.memref_slice %arg1[%dma_wait3A_161, %dma_wait3A_165, %dma_wait3A_166] : memref<2048x16x2048xf32, #tpu.memory_space<any>> -> memref<1x16x2048xf32, #tpu.memory_space<any>>
    %dma_wait3A_168 = tpu.memref_squeeze %dma_wait3A_167 : memref<1x16x2048xf32, #tpu.memory_space<any>> -> memref<16x2048xf32, #tpu.memory_space<any>>
    %dma_wait3A_169 = arith.constant 0 : i32
    %dma_wait3A_170 = arith.constant 0 : i32
    %dma_wait3A_171 = tpu.memref_slice %arg2[%dma_wait3A_160, %dma_wait3A_169, %dma_wait3A_170] : memref<128x16x3968xf32, #tpu.memory_space<vmem>> -> memref<1x16x2048xf32, #tpu.memory_space<vmem>>
    %dma_wait3A_172 = tpu.memref_squeeze %dma_wait3A_171 : memref<1x16x2048xf32, #tpu.memory_space<vmem>> -> memref<16x2048xf32, #tpu.memory_space<vmem>>
    tpu.wait_dma2 semaphore(%dma_wait3A_164 : memref<!tpu.dma_semaphore, #tpu.memory_space<semaphore_mem>>) src(%dma_wait3A_172 : memref<16x2048xf32, #tpu.memory_space<vmem>>) dst(%dma_wait3A_168 : memref<16x2048xf32, #tpu.memory_space<any>>)
    %dma_wait3A_173 = arith.constant 0 : i32
    %dma_wait3A_174 = arith.constant 0 : i32
    %dma_wait3A_175 = arith.constant 5 : i32
    %dma_wait3A_176 = tpu.memref_slice %arg3[%dma_wait3A_175] : memref<8x!tpu.dma_semaphore, #tpu.memory_space<semaphore_mem>> -> memref<1x!tpu.dma_semaphore, #tpu.memory_space<semaphore_mem>>
    %dma_wait3A_177 = tpu.memref_squeeze %dma_wait3A_176 : memref<1x!tpu.dma_semaphore, #tpu.memory_space<semaphore_mem>> -> memref<!tpu.dma_semaphore, #tpu.memory_space<semaphore_mem>>
    %dma_wait3A_178 = arith.constant 0 : i32
    %dma_wait3A_179 = arith.constant 0 : i32
    %dma_wait3A_180 = tpu.memref_slice %arg1[%dma_wait3A_174, %dma_wait3A_178, %dma_wait3A_179] : memref<2048x16x2048xf32, #tpu.memory_space<any>> -> memref<1x16x2048xf32, #tpu.memory_space<any>>
    %dma_wait3A_181 = tpu.memref_squeeze %dma_wait3A_180 : memref<1x16x2048xf32, #tpu.memory_space<any>> -> memref<16x2048xf32, #tpu.memory_space<any>>
    %dma_wait3A_182 = arith.constant 0 : i32
    %dma_wait3A_183 = arith.constant 0 : i32
    %dma_wait3A_184 = tpu.memref_slice %arg2[%dma_wait3A_173, %dma_wait3A_182, %dma_wait3A_183] : memref<128x16x3968xf32, #tpu.memory_space<vmem>> -> memref<1x16x2048xf32, #tpu.memory_space<vmem>>
    %dma_wait3A_185 = tpu.memref_squeeze %dma_wait3A_184 : memref<1x16x2048xf32, #tpu.memory_space<vmem>> -> memref<16x2048xf32, #tpu.memory_space<vmem>>
    tpu.wait_dma2 semaphore(%dma_wait3A_177 : memref<!tpu.dma_semaphore, #tpu.memory_space<semaphore_mem>>) src(%dma_wait3A_185 : memref<16x2048xf32, #tpu.memory_space<vmem>>) dst(%dma_wait3A_181 : memref<16x2048xf32, #tpu.memory_space<any>>)
    %dma_wait3A_186 = arith.constant 0 : i32
    %dma_wait3A_187 = arith.constant 0 : i32
    %dma_wait3A_188 = arith.constant 6 : i32
    %dma_wait3A_189 = tpu.memref_slice %arg3[%dma_wait3A_188] : memref<8x!tpu.dma_semaphore, #tpu.memory_space<semaphore_mem>> -> memref<1x!tpu.dma_semaphore, #tpu.memory_space<semaphore_mem>>
    %dma_wait3A_190 = tpu.memref_squeeze %dma_wait3A_189 : memref<1x!tpu.dma_semaphore, #tpu.memory_space<semaphore_mem>> -> memref<!tpu.dma_semaphore, #tpu.memory_space<semaphore_mem>>
    %dma_wait3A_191 = arith.constant 0 : i32
    %dma_wait3A_192 = arith.constant 0 : i32
    %dma_wait3A_193 = tpu.memref_slice %arg1[%dma_wait3A_187, %dma_wait3A_191, %dma_wait3A_192] : memref<2048x16x2048xf32, #tpu.memory_space<any>> -> memref<1x16x2048xf32, #tpu.memory_space<any>>
    %dma_wait3A_194 = tpu.memref_squeeze %dma_wait3A_193 : memref<1x16x2048xf32, #tpu.memory_space<any>> -> memref<16x2048xf32, #tpu.memory_space<any>>
    %dma_wait3A_195 = arith.constant 0 : i32
    %dma_wait3A_196 = arith.constant 0 : i32
    %dma_wait3A_197 = tpu.memref_slice %arg2[%dma_wait3A_186, %dma_wait3A_195, %dma_wait3A_196] : memref<128x16x3968xf32, #tpu.memory_space<vmem>> -> memref<1x16x2048xf32, #tpu.memory_space<vmem>>
    %dma_wait3A_198 = tpu.memref_squeeze %dma_wait3A_197 : memref<1x16x2048xf32, #tpu.memory_space<vmem>> -> memref<16x2048xf32, #tpu.memory_space<vmem>>
    tpu.wait_dma2 semaphore(%dma_wait3A_190 : memref<!tpu.dma_semaphore, #tpu.memory_space<semaphore_mem>>) src(%dma_wait3A_198 : memref<16x2048xf32, #tpu.memory_space<vmem>>) dst(%dma_wait3A_194 : memref<16x2048xf32, #tpu.memory_space<any>>)
    %dma_wait3A_199 = arith.constant 0 : i32
    %dma_wait3A_200 = arith.constant 0 : i32
    %dma_wait3A_201 = arith.constant 7 : i32
    %dma_wait3A_202 = tpu.memref_slice %arg3[%dma_wait3A_201] : memref<8x!tpu.dma_semaphore, #tpu.memory_space<semaphore_mem>> -> memref<1x!tpu.dma_semaphore, #tpu.memory_space<semaphore_mem>>
    %dma_wait3A_203 = tpu.memref_squeeze %dma_wait3A_202 : memref<1x!tpu.dma_semaphore, #tpu.memory_space<semaphore_mem>> -> memref<!tpu.dma_semaphore, #tpu.memory_space<semaphore_mem>>
    %dma_wait3A_204 = arith.constant 0 : i32
    %dma_wait3A_205 = arith.constant 0 : i32
    %dma_wait3A_206 = tpu.memref_slice %arg1[%dma_wait3A_200, %dma_wait3A_204, %dma_wait3A_205] : memref<2048x16x2048xf32, #tpu.memory_space<any>> -> memref<1x16x2048xf32, #tpu.memory_space<any>>
    %dma_wait3A_207 = tpu.memref_squeeze %dma_wait3A_206 : memref<1x16x2048xf32, #tpu.memory_space<any>> -> memref<16x2048xf32, #tpu.memory_space<any>>
    %dma_wait3A_208 = arith.constant 0 : i32
    %dma_wait3A_209 = arith.constant 0 : i32
    %dma_wait3A_210 = tpu.memref_slice %arg2[%dma_wait3A_199, %dma_wait3A_208, %dma_wait3A_209] : memref<128x16x3968xf32, #tpu.memory_space<vmem>> -> memref<1x16x2048xf32, #tpu.memory_space<vmem>>
    %dma_wait3A_211 = tpu.memref_squeeze %dma_wait3A_210 : memref<1x16x2048xf32, #tpu.memory_space<vmem>> -> memref<16x2048xf32, #tpu.memory_space<vmem>>
    tpu.wait_dma2 semaphore(%dma_wait3A_203 : memref<!tpu.dma_semaphore, #tpu.memory_space<semaphore_mem>>) src(%dma_wait3A_211 : memref<16x2048xf32, #tpu.memory_space<vmem>>) dst(%dma_wait3A_207 : memref<16x2048xf32, #tpu.memory_space<any>>)
    %dma_wait3A_212 = arith.constant 0 : i32
    %dma_wait3A_213 = arith.constant 0 : i32
    %dma_wait3A_214 = arith.constant 0 : i32
    %dma_wait3A_215 = tpu.memref_slice %arg3[%dma_wait3A_214] : memref<8x!tpu.dma_semaphore, #tpu.memory_space<semaphore_mem>> -> memref<1x!tpu.dma_semaphore, #tpu.memory_space<semaphore_mem>>
    %dma_wait3A_216 = tpu.memref_squeeze %dma_wait3A_215 : memref<1x!tpu.dma_semaphore, #tpu.memory_space<semaphore_mem>> -> memref<!tpu.dma_semaphore, #tpu.memory_space<semaphore_mem>>
    %dma_wait3A_217 = arith.constant 0 : i32
    %dma_wait3A_218 = arith.constant 0 : i32
    %dma_wait3A_219 = tpu.memref_slice %arg1[%dma_wait3A_213, %dma_wait3A_217, %dma_wait3A_218] : memref<2048x16x2048xf32, #tpu.memory_space<any>> -> memref<1x16x2048xf32, #tpu.memory_space<any>>
    %dma_wait3A_220 = tpu.memref_squeeze %dma_wait3A_219 : memref<1x16x2048xf32, #tpu.memory_space<any>> -> memref<16x2048xf32, #tpu.memory_space<any>>
    %dma_wait3A_221 = arith.constant 0 : i32
    %dma_wait3A_222 = arith.constant 0 : i32
    %dma_wait3A_223 = tpu.memref_slice %arg2[%dma_wait3A_212, %dma_wait3A_221, %dma_wait3A_222] : memref<128x16x3968xf32, #tpu.memory_space<vmem>> -> memref<1x16x2048xf32, #tpu.memory_space<vmem>>
    %dma_wait3A_224 = tpu.memref_squeeze %dma_wait3A_223 : memref<1x16x2048xf32, #tpu.memory_space<vmem>> -> memref<16x2048xf32, #tpu.memory_space<vmem>>
    tpu.wait_dma2 semaphore(%dma_wait3A_216 : memref<!tpu.dma_semaphore, #tpu.memory_space<semaphore_mem>>) src(%dma_wait3A_224 : memref<16x2048xf32, #tpu.memory_space<vmem>>) dst(%dma_wait3A_220 : memref<16x2048xf32, #tpu.memory_space<any>>)
    %dma_wait3A_225 = arith.constant 0 : i32
    %dma_wait3A_226 = arith.constant 0 : i32
    %dma_wait3A_227 = arith.constant 1 : i32
    %dma_wait3A_228 = tpu.memref_slice %arg3[%dma_wait3A_227] : memref<8x!tpu.dma_semaphore, #tpu.memory_space<semaphore_mem>> -> memref<1x!tpu.dma_semaphore, #tpu.memory_space<semaphore_mem>>
    %dma_wait3A_229 = tpu.memref_squeeze %dma_wait3A_228 : memref<1x!tpu.dma_semaphore, #tpu.memory_space<semaphore_mem>> -> memref<!tpu.dma_semaphore, #tpu.memory_space<semaphore_mem>>
    %dma_wait3A_230 = arith.constant 0 : i32
    %dma_wait3A_231 = arith.constant 0 : i32
    %dma_wait3A_232 = tpu.memref_slice %arg1[%dma_wait3A_226, %dma_wait3A_230, %dma_wait3A_231] : memref<2048x16x2048xf32, #tpu.memory_space<any>> -> memref<1x16x2048xf32, #tpu.memory_space<any>>
    %dma_wait3A_233 = tpu.memref_squeeze %dma_wait3A_232 : memref<1x16x2048xf32, #tpu.memory_space<any>> -> memref<16x2048xf32, #tpu.memory_space<any>>
    %dma_wait3A_234 = arith.constant 0 : i32
    %dma_wait3A_235 = arith.constant 0 : i32
    %dma_wait3A_236 = tpu.memref_slice %arg2[%dma_wait3A_225, %dma_wait3A_234, %dma_wait3A_235] : memref<128x16x3968xf32, #tpu.memory_space<vmem>> -> memref<1x16x2048xf32, #tpu.memory_space<vmem>>
    %dma_wait3A_237 = tpu.memref_squeeze %dma_wait3A_236 : memref<1x16x2048xf32, #tpu.memory_space<vmem>> -> memref<16x2048xf32, #tpu.memory_space<vmem>>
    tpu.wait_dma2 semaphore(%dma_wait3A_229 : memref<!tpu.dma_semaphore, #tpu.memory_space<semaphore_mem>>) src(%dma_wait3A_237 : memref<16x2048xf32, #tpu.memory_space<vmem>>) dst(%dma_wait3A_233 : memref<16x2048xf32, #tpu.memory_space<any>>)
    %dma_wait3A_238 = arith.constant 0 : i32
    %dma_wait3A_239 = arith.constant 0 : i32
    %dma_wait3A_240 = arith.constant 2 : i32
    %dma_wait3A_241 = tpu.memref_slice %arg3[%dma_wait3A_240] : memref<8x!tpu.dma_semaphore, #tpu.memory_space<semaphore_mem>> -> memref<1x!tpu.dma_semaphore, #tpu.memory_space<semaphore_mem>>
    %dma_wait3A_242 = tpu.memref_squeeze %dma_wait3A_241 : memref<1x!tpu.dma_semaphore, #tpu.memory_space<semaphore_mem>> -> memref<!tpu.dma_semaphore, #tpu.memory_space<semaphore_mem>>
    %dma_wait3A_243 = arith.constant 0 : i32
    %dma_wait3A_244 = arith.constant 0 : i32
    %dma_wait3A_245 = tpu.memref_slice %arg1[%dma_wait3A_239, %dma_wait3A_243, %dma_wait3A_244] : memref<2048x16x2048xf32, #tpu.memory_space<any>> -> memref<1x16x2048xf32, #tpu.memory_space<any>>
    %dma_wait3A_246 = tpu.memref_squeeze %dma_wait3A_245 : memref<1x16x2048xf32, #tpu.memory_space<any>> -> memref<16x2048xf32, #tpu.memory_space<any>>
    %dma_wait3A_247 = arith.constant 0 : i32
    %dma_wait3A_248 = arith.constant 0 : i32
    %dma_wait3A_249 = tpu.memref_slice %arg2[%dma_wait3A_238, %dma_wait3A_247, %dma_wait3A_248] : memref<128x16x3968xf32, #tpu.memory_space<vmem>> -> memref<1x16x2048xf32, #tpu.memory_space<vmem>>
    %dma_wait3A_250 = tpu.memref_squeeze %dma_wait3A_249 : memref<1x16x2048xf32, #tpu.memory_space<vmem>> -> memref<16x2048xf32, #tpu.memory_space<vmem>>
    tpu.wait_dma2 semaphore(%dma_wait3A_242 : memref<!tpu.dma_semaphore, #tpu.memory_space<semaphore_mem>>) src(%dma_wait3A_250 : memref<16x2048xf32, #tpu.memory_space<vmem>>) dst(%dma_wait3A_246 : memref<16x2048xf32, #tpu.memory_space<any>>)
    %dma_wait3A_251 = arith.constant 0 : i32
    %dma_wait3A_252 = arith.constant 0 : i32
    %dma_wait3A_253 = arith.constant 3 : i32
    %dma_wait3A_254 = tpu.memref_slice %arg3[%dma_wait3A_253] : memref<8x!tpu.dma_semaphore, #tpu.memory_space<semaphore_mem>> -> memref<1x!tpu.dma_semaphore, #tpu.memory_space<semaphore_mem>>
    %dma_wait3A_255 = tpu.memref_squeeze %dma_wait3A_254 : memref<1x!tpu.dma_semaphore, #tpu.memory_space<semaphore_mem>> -> memref<!tpu.dma_semaphore, #tpu.memory_space<semaphore_mem>>
    %dma_wait3A_256 = arith.constant 0 : i32
    %dma_wait3A_257 = arith.constant 0 : i32
    %dma_wait3A_258 = tpu.memref_slice %arg1[%dma_wait3A_252, %dma_wait3A_256, %dma_wait3A_257] : memref<2048x16x2048xf32, #tpu.memory_space<any>> -> memref<1x16x2048xf32, #tpu.memory_space<any>>
    %dma_wait3A_259 = tpu.memref_squeeze %dma_wait3A_258 : memref<1x16x2048xf32, #tpu.memory_space<any>> -> memref<16x2048xf32, #tpu.memory_space<any>>
    %dma_wait3A_260 = arith.constant 0 : i32
    %dma_wait3A_261 = arith.constant 0 : i32
    %dma_wait3A_262 = tpu.memref_slice %arg2[%dma_wait3A_251, %dma_wait3A_260, %dma_wait3A_261] : memref<128x16x3968xf32, #tpu.memory_space<vmem>> -> memref<1x16x2048xf32, #tpu.memory_space<vmem>>
    %dma_wait3A_263 = tpu.memref_squeeze %dma_wait3A_262 : memref<1x16x2048xf32, #tpu.memory_space<vmem>> -> memref<16x2048xf32, #tpu.memory_space<vmem>>
    tpu.wait_dma2 semaphore(%dma_wait3A_255 : memref<!tpu.dma_semaphore, #tpu.memory_space<semaphore_mem>>) src(%dma_wait3A_263 : memref<16x2048xf32, #tpu.memory_space<vmem>>) dst(%dma_wait3A_259 : memref<16x2048xf32, #tpu.memory_space<any>>)
    %dma_wait3A_264 = arith.constant 0 : i32
    %dma_wait3A_265 = arith.constant 0 : i32
    %dma_wait3A_266 = arith.constant 4 : i32
    %dma_wait3A_267 = tpu.memref_slice %arg3[%dma_wait3A_266] : memref<8x!tpu.dma_semaphore, #tpu.memory_space<semaphore_mem>> -> memref<1x!tpu.dma_semaphore, #tpu.memory_space<semaphore_mem>>
    %dma_wait3A_268 = tpu.memref_squeeze %dma_wait3A_267 : memref<1x!tpu.dma_semaphore, #tpu.memory_space<semaphore_mem>> -> memref<!tpu.dma_semaphore, #tpu.memory_space<semaphore_mem>>
    %dma_wait3A_269 = arith.constant 0 : i32
    %dma_wait3A_270 = arith.constant 0 : i32
    %dma_wait3A_271 = tpu.memref_slice %arg1[%dma_wait3A_265, %dma_wait3A_269, %dma_wait3A_270] : memref<2048x16x2048xf32, #tpu.memory_space<any>> -> memref<1x16x2048xf32, #tpu.memory_space<any>>
    %dma_wait3A_272 = tpu.memref_squeeze %dma_wait3A_271 : memref<1x16x2048xf32, #tpu.memory_space<any>> -> memref<16x2048xf32, #tpu.memory_space<any>>
    %dma_wait3A_273 = arith.constant 0 : i32
    %dma_wait3A_274 = arith.constant 0 : i32
    %dma_wait3A_275 = tpu.memref_slice %arg2[%dma_wait3A_264, %dma_wait3A_273, %dma_wait3A_274] : memref<128x16x3968xf32, #tpu.memory_space<vmem>> -> memref<1x16x2048xf32, #tpu.memory_space<vmem>>
    %dma_wait3A_276 = tpu.memref_squeeze %dma_wait3A_275 : memref<1x16x2048xf32, #tpu.memory_space<vmem>> -> memref<16x2048xf32, #tpu.memory_space<vmem>>
    tpu.wait_dma2 semaphore(%dma_wait3A_268 : memref<!tpu.dma_semaphore, #tpu.memory_space<semaphore_mem>>) src(%dma_wait3A_276 : memref<16x2048xf32, #tpu.memory_space<vmem>>) dst(%dma_wait3A_272 : memref<16x2048xf32, #tpu.memory_space<any>>)
    %dma_wait3A_277 = arith.constant 0 : i32
    %dma_wait3A_278 = arith.constant 0 : i32
    %dma_wait3A_279 = arith.constant 5 : i32
    %dma_wait3A_280 = tpu.memref_slice %arg3[%dma_wait3A_279] : memref<8x!tpu.dma_semaphore, #tpu.memory_space<semaphore_mem>> -> memref<1x!tpu.dma_semaphore, #tpu.memory_space<semaphore_mem>>
    %dma_wait3A_281 = tpu.memref_squeeze %dma_wait3A_280 : memref<1x!tpu.dma_semaphore, #tpu.memory_space<semaphore_mem>> -> memref<!tpu.dma_semaphore, #tpu.memory_space<semaphore_mem>>
    %dma_wait3A_282 = arith.constant 0 : i32
    %dma_wait3A_283 = arith.constant 0 : i32
    %dma_wait3A_284 = tpu.memref_slice %arg1[%dma_wait3A_278, %dma_wait3A_282, %dma_wait3A_283] : memref<2048x16x2048xf32, #tpu.memory_space<any>> -> memref<1x16x2048xf32, #tpu.memory_space<any>>
    %dma_wait3A_285 = tpu.memref_squeeze %dma_wait3A_284 : memref<1x16x2048xf32, #tpu.memory_space<any>> -> memref<16x2048xf32, #tpu.memory_space<any>>
    %dma_wait3A_286 = arith.constant 0 : i32
    %dma_wait3A_287 = arith.constant 0 : i32
    %dma_wait3A_288 = tpu.memref_slice %arg2[%dma_wait3A_277, %dma_wait3A_286, %dma_wait3A_287] : memref<128x16x3968xf32, #tpu.memory_space<vmem>> -> memref<1x16x2048xf32, #tpu.memory_space<vmem>>
    %dma_wait3A_289 = tpu.memref_squeeze %dma_wait3A_288 : memref<1x16x2048xf32, #tpu.memory_space<vmem>> -> memref<16x2048xf32, #tpu.memory_space<vmem>>
    tpu.wait_dma2 semaphore(%dma_wait3A_281 : memref<!tpu.dma_semaphore, #tpu.memory_space<semaphore_mem>>) src(%dma_wait3A_289 : memref<16x2048xf32, #tpu.memory_space<vmem>>) dst(%dma_wait3A_285 : memref<16x2048xf32, #tpu.memory_space<any>>)
    %dma_wait3A_290 = arith.constant 0 : i32
    %dma_wait3A_291 = arith.constant 0 : i32
    %dma_wait3A_292 = arith.constant 6 : i32
    %dma_wait3A_293 = tpu.memref_slice %arg3[%dma_wait3A_292] : memref<8x!tpu.dma_semaphore, #tpu.memory_space<semaphore_mem>> -> memref<1x!tpu.dma_semaphore, #tpu.memory_space<semaphore_mem>>
    %dma_wait3A_294 = tpu.memref_squeeze %dma_wait3A_293 : memref<1x!tpu.dma_semaphore, #tpu.memory_space<semaphore_mem>> -> memref<!tpu.dma_semaphore, #tpu.memory_space<semaphore_mem>>
    %dma_wait3A_295 = arith.constant 0 : i32
    %dma_wait3A_296 = arith.constant 0 : i32
    %dma_wait3A_297 = tpu.memref_slice %arg1[%dma_wait3A_291, %dma_wait3A_295, %dma_wait3A_296] : memref<2048x16x2048xf32, #tpu.memory_space<any>> -> memref<1x16x2048xf32, #tpu.memory_space<any>>
    %dma_wait3A_298 = tpu.memref_squeeze %dma_wait3A_297 : memref<1x16x2048xf32, #tpu.memory_space<any>> -> memref<16x2048xf32, #tpu.memory_space<any>>
    %dma_wait3A_299 = arith.constant 0 : i32
    %dma_wait3A_300 = arith.constant 0 : i32
    %dma_wait3A_301 = tpu.memref_slice %arg2[%dma_wait3A_290, %dma_wait3A_299, %dma_wait3A_300] : memref<128x16x3968xf32, #tpu.memory_space<vmem>> -> memref<1x16x2048xf32, #tpu.memory_space<vmem>>
    %dma_wait3A_302 = tpu.memref_squeeze %dma_wait3A_301 : memref<1x16x2048xf32, #tpu.memory_space<vmem>> -> memref<16x2048xf32, #tpu.memory_space<vmem>>
    tpu.wait_dma2 semaphore(%dma_wait3A_294 : memref<!tpu.dma_semaphore, #tpu.memory_space<semaphore_mem>>) src(%dma_wait3A_302 : memref<16x2048xf32, #tpu.memory_space<vmem>>) dst(%dma_wait3A_298 : memref<16x2048xf32, #tpu.memory_space<any>>)
    %dma_wait3A_303 = arith.constant 0 : i32
    %dma_wait3A_304 = arith.constant 0 : i32
    %dma_wait3A_305 = arith.constant 7 : i32
    %dma_wait3A_306 = tpu.memref_slice %arg3[%dma_wait3A_305] : memref<8x!tpu.dma_semaphore, #tpu.memory_space<semaphore_mem>> -> memref<1x!tpu.dma_semaphore, #tpu.memory_space<semaphore_mem>>
    %dma_wait3A_307 = tpu.memref_squeeze %dma_wait3A_306 : memref<1x!tpu.dma_semaphore, #tpu.memory_space<semaphore_mem>> -> memref<!tpu.dma_semaphore, #tpu.memory_space<semaphore_mem>>
    %dma_wait3A_308 = arith.constant 0 : i32
    %dma_wait3A_309 = arith.constant 0 : i32
    %dma_wait3A_310 = tpu.memref_slice %arg1[%dma_wait3A_304, %dma_wait3A_308, %dma_wait3A_309] : memref<2048x16x2048xf32, #tpu.memory_space<any>> -> memref<1x16x2048xf32, #tpu.memory_space<any>>
    %dma_wait3A_311 = tpu.memref_squeeze %dma_wait3A_310 : memref<1x16x2048xf32, #tpu.memory_space<any>> -> memref<16x2048xf32, #tpu.memory_space<any>>
    %dma_wait3A_312 = arith.constant 0 : i32
    %dma_wait3A_313 = arith.constant 0 : i32
    %dma_wait3A_314 = tpu.memref_slice %arg2[%dma_wait3A_303, %dma_wait3A_312, %dma_wait3A_313] : memref<128x16x3968xf32, #tpu.memory_space<vmem>> -> memref<1x16x2048xf32, #tpu.memory_space<vmem>>
    %dma_wait3A_315 = tpu.memref_squeeze %dma_wait3A_314 : memref<1x16x2048xf32, #tpu.memory_space<vmem>> -> memref<16x2048xf32, #tpu.memory_space<vmem>>
    tpu.wait_dma2 semaphore(%dma_wait3A_307 : memref<!tpu.dma_semaphore, #tpu.memory_space<semaphore_mem>>) src(%dma_wait3A_315 : memref<16x2048xf32, #tpu.memory_space<vmem>>) dst(%dma_wait3A_311 : memref<16x2048xf32, #tpu.memory_space<any>>)
    %dma_wait3A_316 = arith.constant 0 : i32
    %dma_wait3A_317 = arith.constant 0 : i32
    %dma_wait3A_318 = arith.constant 0 : i32
    %dma_wait3A_319 = tpu.memref_slice %arg3[%dma_wait3A_318] : memref<8x!tpu.dma_semaphore, #tpu.memory_space<semaphore_mem>> -> memref<1x!tpu.dma_semaphore, #tpu.memory_space<semaphore_mem>>
    %dma_wait3A_320 = tpu.memref_squeeze %dma_wait3A_319 : memref<1x!tpu.dma_semaphore, #tpu.memory_space<semaphore_mem>> -> memref<!tpu.dma_semaphore, #tpu.memory_space<semaphore_mem>>
    %dma_wait3A_321 = arith.constant 0 : i32
    %dma_wait3A_322 = arith.constant 0 : i32
    %dma_wait3A_323 = tpu.memref_slice %arg1[%dma_wait3A_317, %dma_wait3A_321, %dma_wait3A_322] : memref<2048x16x2048xf32, #tpu.memory_space<any>> -> memref<1x16x2048xf32, #tpu.memory_space<any>>
    %dma_wait3A_324 = tpu.memref_squeeze %dma_wait3A_323 : memref<1x16x2048xf32, #tpu.memory_space<any>> -> memref<16x2048xf32, #tpu.memory_space<any>>
    %dma_wait3A_325 = arith.constant 0 : i32
    %dma_wait3A_326 = arith.constant 0 : i32
    %dma_wait3A_327 = tpu.memref_slice %arg2[%dma_wait3A_316, %dma_wait3A_325, %dma_wait3A_326] : memref<128x16x3968xf32, #tpu.memory_space<vmem>> -> memref<1x16x2048xf32, #tpu.memory_space<vmem>>
    %dma_wait3A_328 = tpu.memref_squeeze %dma_wait3A_327 : memref<1x16x2048xf32, #tpu.memory_space<vmem>> -> memref<16x2048xf32, #tpu.memory_space<vmem>>
    tpu.wait_dma2 semaphore(%dma_wait3A_320 : memref<!tpu.dma_semaphore, #tpu.memory_space<semaphore_mem>>) src(%dma_wait3A_328 : memref<16x2048xf32, #tpu.memory_space<vmem>>) dst(%dma_wait3A_324 : memref<16x2048xf32, #tpu.memory_space<any>>)
    %dma_wait3A_329 = arith.constant 0 : i32
    %dma_wait3A_330 = arith.constant 0 : i32
    %dma_wait3A_331 = arith.constant 1 : i32
    %dma_wait3A_332 = tpu.memref_slice %arg3[%dma_wait3A_331] : memref<8x!tpu.dma_semaphore, #tpu.memory_space<semaphore_mem>> -> memref<1x!tpu.dma_semaphore, #tpu.memory_space<semaphore_mem>>
    %dma_wait3A_333 = tpu.memref_squeeze %dma_wait3A_332 : memref<1x!tpu.dma_semaphore, #tpu.memory_space<semaphore_mem>> -> memref<!tpu.dma_semaphore, #tpu.memory_space<semaphore_mem>>
    %dma_wait3A_334 = arith.constant 0 : i32
    %dma_wait3A_335 = arith.constant 0 : i32
    %dma_wait3A_336 = tpu.memref_slice %arg1[%dma_wait3A_330, %dma_wait3A_334, %dma_wait3A_335] : memref<2048x16x2048xf32, #tpu.memory_space<any>> -> memref<1x16x2048xf32, #tpu.memory_space<any>>
    %dma_wait3A_337 = tpu.memref_squeeze %dma_wait3A_336 : memref<1x16x2048xf32, #tpu.memory_space<any>> -> memref<16x2048xf32, #tpu.memory_space<any>>
    %dma_wait3A_338 = arith.constant 0 : i32
    %dma_wait3A_339 = arith.constant 0 : i32
    %dma_wait3A_340 = tpu.memref_slice %arg2[%dma_wait3A_329, %dma_wait3A_338, %dma_wait3A_339] : memref<128x16x3968xf32, #tpu.memory_space<vmem>> -> memref<1x16x2048xf32, #tpu.memory_space<vmem>>
    %dma_wait3A_341 = tpu.memref_squeeze %dma_wait3A_340 : memref<1x16x2048xf32, #tpu.memory_space<vmem>> -> memref<16x2048xf32, #tpu.memory_space<vmem>>
    tpu.wait_dma2 semaphore(%dma_wait3A_333 : memref<!tpu.dma_semaphore, #tpu.memory_space<semaphore_mem>>) src(%dma_wait3A_341 : memref<16x2048xf32, #tpu.memory_space<vmem>>) dst(%dma_wait3A_337 : memref<16x2048xf32, #tpu.memory_space<any>>)
    %dma_wait3A_342 = arith.constant 0 : i32
    %dma_wait3A_343 = arith.constant 0 : i32
    %dma_wait3A_344 = arith.constant 2 : i32
    %dma_wait3A_345 = tpu.memref_slice %arg3[%dma_wait3A_344] : memref<8x!tpu.dma_semaphore, #tpu.memory_space<semaphore_mem>> -> memref<1x!tpu.dma_semaphore, #tpu.memory_space<semaphore_mem>>
    %dma_wait3A_346 = tpu.memref_squeeze %dma_wait3A_345 : memref<1x!tpu.dma_semaphore, #tpu.memory_space<semaphore_mem>> -> memref<!tpu.dma_semaphore, #tpu.memory_space<semaphore_mem>>
    %dma_wait3A_347 = arith.constant 0 : i32
    %dma_wait3A_348 = arith.constant 0 : i32
    %dma_wait3A_349 = tpu.memref_slice %arg1[%dma_wait3A_343, %dma_wait3A_347, %dma_wait3A_348] : memref<2048x16x2048xf32, #tpu.memory_space<any>> -> memref<1x16x2048xf32, #tpu.memory_space<any>>
    %dma_wait3A_350 = tpu.memref_squeeze %dma_wait3A_349 : memref<1x16x2048xf32, #tpu.memory_space<any>> -> memref<16x2048xf32, #tpu.memory_space<any>>
    %dma_wait3A_351 = arith.constant 0 : i32
    %dma_wait3A_352 = arith.constant 0 : i32
    %dma_wait3A_353 = tpu.memref_slice %arg2[%dma_wait3A_342, %dma_wait3A_351, %dma_wait3A_352] : memref<128x16x3968xf32, #tpu.memory_space<vmem>> -> memref<1x16x2048xf32, #tpu.memory_space<vmem>>
    %dma_wait3A_354 = tpu.memref_squeeze %dma_wait3A_353 : memref<1x16x2048xf32, #tpu.memory_space<vmem>> -> memref<16x2048xf32, #tpu.memory_space<vmem>>
    tpu.wait_dma2 semaphore(%dma_wait3A_346 : memref<!tpu.dma_semaphore, #tpu.memory_space<semaphore_mem>>) src(%dma_wait3A_354 : memref<16x2048xf32, #tpu.memory_space<vmem>>) dst(%dma_wait3A_350 : memref<16x2048xf32, #tpu.memory_space<any>>)
    %dma_wait3A_355 = arith.constant 0 : i32
    %dma_wait3A_356 = arith.constant 0 : i32
    %dma_wait3A_357 = arith.constant 3 : i32
    %dma_wait3A_358 = tpu.memref_slice %arg3[%dma_wait3A_357] : memref<8x!tpu.dma_semaphore, #tpu.memory_space<semaphore_mem>> -> memref<1x!tpu.dma_semaphore, #tpu.memory_space<semaphore_mem>>
    %dma_wait3A_359 = tpu.memref_squeeze %dma_wait3A_358 : memref<1x!tpu.dma_semaphore, #tpu.memory_space<semaphore_mem>> -> memref<!tpu.dma_semaphore, #tpu.memory_space<semaphore_mem>>
    %dma_wait3A_360 = arith.constant 0 : i32
    %dma_wait3A_361 = arith.constant 0 : i32
    %dma_wait3A_362 = tpu.memref_slice %arg1[%dma_wait3A_356, %dma_wait3A_360, %dma_wait3A_361] : memref<2048x16x2048xf32, #tpu.memory_space<any>> -> memref<1x16x2048xf32, #tpu.memory_space<any>>
    %dma_wait3A_363 = tpu.memref_squeeze %dma_wait3A_362 : memref<1x16x2048xf32, #tpu.memory_space<any>> -> memref<16x2048xf32, #tpu.memory_space<any>>
    %dma_wait3A_364 = arith.constant 0 : i32
    %dma_wait3A_365 = arith.constant 0 : i32
    %dma_wait3A_366 = tpu.memref_slice %arg2[%dma_wait3A_355, %dma_wait3A_364, %dma_wait3A_365] : memref<128x16x3968xf32, #tpu.memory_space<vmem>> -> memref<1x16x2048xf32, #tpu.memory_space<vmem>>
    %dma_wait3A_367 = tpu.memref_squeeze %dma_wait3A_366 : memref<1x16x2048xf32, #tpu.memory_space<vmem>> -> memref<16x2048xf32, #tpu.memory_space<vmem>>
    tpu.wait_dma2 semaphore(%dma_wait3A_359 : memref<!tpu.dma_semaphore, #tpu.memory_space<semaphore_mem>>) src(%dma_wait3A_367 : memref<16x2048xf32, #tpu.memory_space<vmem>>) dst(%dma_wait3A_363 : memref<16x2048xf32, #tpu.memory_space<any>>)
    %dma_wait3A_368 = arith.constant 0 : i32
    %dma_wait3A_369 = arith.constant 0 : i32
    %dma_wait3A_370 = arith.constant 4 : i32
    %dma_wait3A_371 = tpu.memref_slice %arg3[%dma_wait3A_370] : memref<8x!tpu.dma_semaphore, #tpu.memory_space<semaphore_mem>> -> memref<1x!tpu.dma_semaphore, #tpu.memory_space<semaphore_mem>>
    %dma_wait3A_372 = tpu.memref_squeeze %dma_wait3A_371 : memref<1x!tpu.dma_semaphore, #tpu.memory_space<semaphore_mem>> -> memref<!tpu.dma_semaphore, #tpu.memory_space<semaphore_mem>>
    %dma_wait3A_373 = arith.constant 0 : i32
    %dma_wait3A_374 = arith.constant 0 : i32
    %dma_wait3A_375 = tpu.memref_slice %arg1[%dma_wait3A_369, %dma_wait3A_373, %dma_wait3A_374] : memref<2048x16x2048xf32, #tpu.memory_space<any>> -> memref<1x16x2048xf32, #tpu.memory_space<any>>
    %dma_wait3A_376 = tpu.memref_squeeze %dma_wait3A_375 : memref<1x16x2048xf32, #tpu.memory_space<any>> -> memref<16x2048xf32, #tpu.memory_space<any>>
    %dma_wait3A_377 = arith.constant 0 : i32
    %dma_wait3A_378 = arith.constant 0 : i32
    %dma_wait3A_379 = tpu.memref_slice %arg2[%dma_wait3A_368, %dma_wait3A_377, %dma_wait3A_378] : memref<128x16x3968xf32, #tpu.memory_space<vmem>> -> memref<1x16x2048xf32, #tpu.memory_space<vmem>>
    %dma_wait3A_380 = tpu.memref_squeeze %dma_wait3A_379 : memref<1x16x2048xf32, #tpu.memory_space<vmem>> -> memref<16x2048xf32, #tpu.memory_space<vmem>>
    tpu.wait_dma2 semaphore(%dma_wait3A_372 : memref<!tpu.dma_semaphore, #tpu.memory_space<semaphore_mem>>) src(%dma_wait3A_380 : memref<16x2048xf32, #tpu.memory_space<vmem>>) dst(%dma_wait3A_376 : memref<16x2048xf32, #tpu.memory_space<any>>)
    %dma_wait3A_381 = arith.constant 0 : i32
    %dma_wait3A_382 = arith.constant 0 : i32
    %dma_wait3A_383 = arith.constant 5 : i32
    %dma_wait3A_384 = tpu.memref_slice %arg3[%dma_wait3A_383] : memref<8x!tpu.dma_semaphore, #tpu.memory_space<semaphore_mem>> -> memref<1x!tpu.dma_semaphore, #tpu.memory_space<semaphore_mem>>
    %dma_wait3A_385 = tpu.memref_squeeze %dma_wait3A_384 : memref<1x!tpu.dma_semaphore, #tpu.memory_space<semaphore_mem>> -> memref<!tpu.dma_semaphore, #tpu.memory_space<semaphore_mem>>
    %dma_wait3A_386 = arith.constant 0 : i32
    %dma_wait3A_387 = arith.constant 0 : i32
    %dma_wait3A_388 = tpu.memref_slice %arg1[%dma_wait3A_382, %dma_wait3A_386, %dma_wait3A_387] : memref<2048x16x2048xf32, #tpu.memory_space<any>> -> memref<1x16x2048xf32, #tpu.memory_space<any>>
    %dma_wait3A_389 = tpu.memref_squeeze %dma_wait3A_388 : memref<1x16x2048xf32, #tpu.memory_space<any>> -> memref<16x2048xf32, #tpu.memory_space<any>>
    %dma_wait3A_390 = arith.constant 0 : i32
    %dma_wait3A_391 = arith.constant 0 : i32
    %dma_wait3A_392 = tpu.memref_slice %arg2[%dma_wait3A_381, %dma_wait3A_390, %dma_wait3A_391] : memref<128x16x3968xf32, #tpu.memory_space<vmem>> -> memref<1x16x2048xf32, #tpu.memory_space<vmem>>
    %dma_wait3A_393 = tpu.memref_squeeze %dma_wait3A_392 : memref<1x16x2048xf32, #tpu.memory_space<vmem>> -> memref<16x2048xf32, #tpu.memory_space<vmem>>
    tpu.wait_dma2 semaphore(%dma_wait3A_385 : memref<!tpu.dma_semaphore, #tpu.memory_space<semaphore_mem>>) src(%dma_wait3A_393 : memref<16x2048xf32, #tpu.memory_space<vmem>>) dst(%dma_wait3A_389 : memref<16x2048xf32, #tpu.memory_space<any>>)
    %dma_wait3A_394 = arith.constant 0 : i32
    %dma_wait3A_395 = arith.constant 0 : i32
    %dma_wait3A_396 = arith.constant 6 : i32
    %dma_wait3A_397 = tpu.memref_slice %arg3[%dma_wait3A_396] : memref<8x!tpu.dma_semaphore, #tpu.memory_space<semaphore_mem>> -> memref<1x!tpu.dma_semaphore, #tpu.memory_space<semaphore_mem>>
    %dma_wait3A_398 = tpu.memref_squeeze %dma_wait3A_397 : memref<1x!tpu.dma_semaphore, #tpu.memory_space<semaphore_mem>> -> memref<!tpu.dma_semaphore, #tpu.memory_space<semaphore_mem>>
    %dma_wait3A_399 = arith.constant 0 : i32
    %dma_wait3A_400 = arith.constant 0 : i32
    %dma_wait3A_401 = tpu.memref_slice %arg1[%dma_wait3A_395, %dma_wait3A_399, %dma_wait3A_400] : memref<2048x16x2048xf32, #tpu.memory_space<any>> -> memref<1x16x2048xf32, #tpu.memory_space<any>>
    %dma_wait3A_402 = tpu.memref_squeeze %dma_wait3A_401 : memref<1x16x2048xf32, #tpu.memory_space<any>> -> memref<16x2048xf32, #tpu.memory_space<any>>
    %dma_wait3A_403 = arith.constant 0 : i32
    %dma_wait3A_404 = arith.constant 0 : i32
    %dma_wait3A_405 = tpu.memref_slice %arg2[%dma_wait3A_394, %dma_wait3A_403, %dma_wait3A_404] : memref<128x16x3968xf32, #tpu.memory_space<vmem>> -> memref<1x16x2048xf32, #tpu.memory_space<vmem>>
    %dma_wait3A_406 = tpu.memref_squeeze %dma_wait3A_405 : memref<1x16x2048xf32, #tpu.memory_space<vmem>> -> memref<16x2048xf32, #tpu.memory_space<vmem>>
    tpu.wait_dma2 semaphore(%dma_wait3A_398 : memref<!tpu.dma_semaphore, #tpu.memory_space<semaphore_mem>>) src(%dma_wait3A_406 : memref<16x2048xf32, #tpu.memory_space<vmem>>) dst(%dma_wait3A_402 : memref<16x2048xf32, #tpu.memory_space<any>>)
    %dma_wait3A_407 = arith.constant 0 : i32
    %dma_wait3A_408 = arith.constant 0 : i32
    %dma_wait3A_409 = arith.constant 7 : i32
    %dma_wait3A_410 = tpu.memref_slice %arg3[%dma_wait3A_409] : memref<8x!tpu.dma_semaphore, #tpu.memory_space<semaphore_mem>> -> memref<1x!tpu.dma_semaphore, #tpu.memory_space<semaphore_mem>>
    %dma_wait3A_411 = tpu.memref_squeeze %dma_wait3A_410 : memref<1x!tpu.dma_semaphore, #tpu.memory_space<semaphore_mem>> -> memref<!tpu.dma_semaphore, #tpu.memory_space<semaphore_mem>>
    %dma_wait3A_412 = arith.constant 0 : i32
    %dma_wait3A_413 = arith.constant 0 : i32
    %dma_wait3A_414 = tpu.memref_slice %arg1[%dma_wait3A_408, %dma_wait3A_412, %dma_wait3A_413] : memref<2048x16x2048xf32, #tpu.memory_space<any>> -> memref<1x16x2048xf32, #tpu.memory_space<any>>
    %dma_wait3A_415 = tpu.memref_squeeze %dma_wait3A_414 : memref<1x16x2048xf32, #tpu.memory_space<any>> -> memref<16x2048xf32, #tpu.memory_space<any>>
    %dma_wait3A_416 = arith.constant 0 : i32
    %dma_wait3A_417 = arith.constant 0 : i32
    %dma_wait3A_418 = tpu.memref_slice %arg2[%dma_wait3A_407, %dma_wait3A_416, %dma_wait3A_417] : memref<128x16x3968xf32, #tpu.memory_space<vmem>> -> memref<1x16x2048xf32, #tpu.memory_space<vmem>>
    %dma_wait3A_419 = tpu.memref_squeeze %dma_wait3A_418 : memref<1x16x2048xf32, #tpu.memory_space<vmem>> -> memref<16x2048xf32, #tpu.memory_space<vmem>>
    tpu.wait_dma2 semaphore(%dma_wait3A_411 : memref<!tpu.dma_semaphore, #tpu.memory_space<semaphore_mem>>) src(%dma_wait3A_419 : memref<16x2048xf32, #tpu.memory_space<vmem>>) dst(%dma_wait3A_415 : memref<16x2048xf32, #tpu.memory_space<any>>)
    %dma_wait3A_420 = arith.constant 0 : i32
    %dma_wait3A_421 = arith.constant 0 : i32
    %dma_wait3A_422 = arith.constant 0 : i32
    %dma_wait3A_423 = tpu.memref_slice %arg3[%dma_wait3A_422] : memref<8x!tpu.dma_semaphore, #tpu.memory_space<semaphore_mem>> -> memref<1x!tpu.dma_semaphore, #tpu.memory_space<semaphore_mem>>
    %dma_wait3A_424 = tpu.memref_squeeze %dma_wait3A_423 : memref<1x!tpu.dma_semaphore, #tpu.memory_space<semaphore_mem>> -> memref<!tpu.dma_semaphore, #tpu.memory_space<semaphore_mem>>
    %dma_wait3A_425 = arith.constant 0 : i32
    %dma_wait3A_426 = arith.constant 0 : i32
    %dma_wait3A_427 = tpu.memref_slice %arg1[%dma_wait3A_421, %dma_wait3A_425, %dma_wait3A_426] : memref<2048x16x2048xf32, #tpu.memory_space<any>> -> memref<1x16x2048xf32, #tpu.memory_space<any>>
    %dma_wait3A_428 = tpu.memref_squeeze %dma_wait3A_427 : memref<1x16x2048xf32, #tpu.memory_space<any>> -> memref<16x2048xf32, #tpu.memory_space<any>>
    %dma_wait3A_429 = arith.constant 0 : i32
    %dma_wait3A_430 = arith.constant 0 : i32
    %dma_wait3A_431 = tpu.memref_slice %arg2[%dma_wait3A_420, %dma_wait3A_429, %dma_wait3A_430] : memref<128x16x3968xf32, #tpu.memory_space<vmem>> -> memref<1x16x2048xf32, #tpu.memory_space<vmem>>
    %dma_wait3A_432 = tpu.memref_squeeze %dma_wait3A_431 : memref<1x16x2048xf32, #tpu.memory_space<vmem>> -> memref<16x2048xf32, #tpu.memory_space<vmem>>
    tpu.wait_dma2 semaphore(%dma_wait3A_424 : memref<!tpu.dma_semaphore, #tpu.memory_space<semaphore_mem>>) src(%dma_wait3A_432 : memref<16x2048xf32, #tpu.memory_space<vmem>>) dst(%dma_wait3A_428 : memref<16x2048xf32, #tpu.memory_space<any>>)
    %dma_wait3A_433 = arith.constant 0 : i32
    %dma_wait3A_434 = arith.constant 0 : i32
    %dma_wait3A_435 = arith.constant 1 : i32
    %dma_wait3A_436 = tpu.memref_slice %arg3[%dma_wait3A_435] : memref<8x!tpu.dma_semaphore, #tpu.memory_space<semaphore_mem>> -> memref<1x!tpu.dma_semaphore, #tpu.memory_space<semaphore_mem>>
    %dma_wait3A_437 = tpu.memref_squeeze %dma_wait3A_436 : memref<1x!tpu.dma_semaphore, #tpu.memory_space<semaphore_mem>> -> memref<!tpu.dma_semaphore, #tpu.memory_space<semaphore_mem>>
    %dma_wait3A_438 = arith.constant 0 : i32
    %dma_wait3A_439 = arith.constant 0 : i32
    %dma_wait3A_440 = tpu.memref_slice %arg1[%dma_wait3A_434, %dma_wait3A_438, %dma_wait3A_439] : memref<2048x16x2048xf32, #tpu.memory_space<any>> -> memref<1x16x2048xf32, #tpu.memory_space<any>>
    %dma_wait3A_441 = tpu.memref_squeeze %dma_wait3A_440 : memref<1x16x2048xf32, #tpu.memory_space<any>> -> memref<16x2048xf32, #tpu.memory_space<any>>
    %dma_wait3A_442 = arith.constant 0 : i32
    %dma_wait3A_443 = arith.constant 0 : i32
    %dma_wait3A_444 = tpu.memref_slice %arg2[%dma_wait3A_433, %dma_wait3A_442, %dma_wait3A_443] : memref<128x16x3968xf32, #tpu.memory_space<vmem>> -> memref<1x16x2048xf32, #tpu.memory_space<vmem>>
    %dma_wait3A_445 = tpu.memref_squeeze %dma_wait3A_444 : memref<1x16x2048xf32, #tpu.memory_space<vmem>> -> memref<16x2048xf32, #tpu.memory_space<vmem>>
    tpu.wait_dma2 semaphore(%dma_wait3A_437 : memref<!tpu.dma_semaphore, #tpu.memory_space<semaphore_mem>>) src(%dma_wait3A_445 : memref<16x2048xf32, #tpu.memory_space<vmem>>) dst(%dma_wait3A_441 : memref<16x2048xf32, #tpu.memory_space<any>>)
    %dma_wait3A_446 = arith.constant 0 : i32
    %dma_wait3A_447 = arith.constant 0 : i32
    %dma_wait3A_448 = arith.constant 2 : i32
    %dma_wait3A_449 = tpu.memref_slice %arg3[%dma_wait3A_448] : memref<8x!tpu.dma_semaphore, #tpu.memory_space<semaphore_mem>> -> memref<1x!tpu.dma_semaphore, #tpu.memory_space<semaphore_mem>>
    %dma_wait3A_450 = tpu.memref_squeeze %dma_wait3A_449 : memref<1x!tpu.dma_semaphore, #tpu.memory_space<semaphore_mem>> -> memref<!tpu.dma_semaphore, #tpu.memory_space<semaphore_mem>>
    %dma_wait3A_451 = arith.constant 0 : i32
    %dma_wait3A_452 = arith.constant 0 : i32
    %dma_wait3A_453 = tpu.memref_slice %arg1[%dma_wait3A_447, %dma_wait3A_451, %dma_wait3A_452] : memref<2048x16x2048xf32, #tpu.memory_space<any>> -> memref<1x16x2048xf32, #tpu.memory_space<any>>
    %dma_wait3A_454 = tpu.memref_squeeze %dma_wait3A_453 : memref<1x16x2048xf32, #tpu.memory_space<any>> -> memref<16x2048xf32, #tpu.memory_space<any>>
    %dma_wait3A_455 = arith.constant 0 : i32
    %dma_wait3A_456 = arith.constant 0 : i32
    %dma_wait3A_457 = tpu.memref_slice %arg2[%dma_wait3A_446, %dma_wait3A_455, %dma_wait3A_456] : memref<128x16x3968xf32, #tpu.memory_space<vmem>> -> memref<1x16x2048xf32, #tpu.memory_space<vmem>>
    %dma_wait3A_458 = tpu.memref_squeeze %dma_wait3A_457 : memref<1x16x2048xf32, #tpu.memory_space<vmem>> -> memref<16x2048xf32, #tpu.memory_space<vmem>>
    tpu.wait_dma2 semaphore(%dma_wait3A_450 : memref<!tpu.dma_semaphore, #tpu.memory_space<semaphore_mem>>) src(%dma_wait3A_458 : memref<16x2048xf32, #tpu.memory_space<vmem>>) dst(%dma_wait3A_454 : memref<16x2048xf32, #tpu.memory_space<any>>)
    %dma_wait3A_459 = arith.constant 0 : i32
    %dma_wait3A_460 = arith.constant 0 : i32
    %dma_wait3A_461 = arith.constant 3 : i32
    %dma_wait3A_462 = tpu.memref_slice %arg3[%dma_wait3A_461] : memref<8x!tpu.dma_semaphore, #tpu.memory_space<semaphore_mem>> -> memref<1x!tpu.dma_semaphore, #tpu.memory_space<semaphore_mem>>
    %dma_wait3A_463 = tpu.memref_squeeze %dma_wait3A_462 : memref<1x!tpu.dma_semaphore, #tpu.memory_space<semaphore_mem>> -> memref<!tpu.dma_semaphore, #tpu.memory_space<semaphore_mem>>
    %dma_wait3A_464 = arith.constant 0 : i32
    %dma_wait3A_465 = arith.constant 0 : i32
    %dma_wait3A_466 = tpu.memref_slice %arg1[%dma_wait3A_460, %dma_wait3A_464, %dma_wait3A_465] : memref<2048x16x2048xf32, #tpu.memory_space<any>> -> memref<1x16x2048xf32, #tpu.memory_space<any>>
    %dma_wait3A_467 = tpu.memref_squeeze %dma_wait3A_466 : memref<1x16x2048xf32, #tpu.memory_space<any>> -> memref<16x2048xf32, #tpu.memory_space<any>>
    %dma_wait3A_468 = arith.constant 0 : i32
    %dma_wait3A_469 = arith.constant 0 : i32
    %dma_wait3A_470 = tpu.memref_slice %arg2[%dma_wait3A_459, %dma_wait3A_468, %dma_wait3A_469] : memref<128x16x3968xf32, #tpu.memory_space<vmem>> -> memref<1x16x2048xf32, #tpu.memory_space<vmem>>
    %dma_wait3A_471 = tpu.memref_squeeze %dma_wait3A_470 : memref<1x16x2048xf32, #tpu.memory_space<vmem>> -> memref<16x2048xf32, #tpu.memory_space<vmem>>
    tpu.wait_dma2 semaphore(%dma_wait3A_463 : memref<!tpu.dma_semaphore, #tpu.memory_space<semaphore_mem>>) src(%dma_wait3A_471 : memref<16x2048xf32, #tpu.memory_space<vmem>>) dst(%dma_wait3A_467 : memref<16x2048xf32, #tpu.memory_space<any>>)
    %dma_wait3A_472 = arith.constant 0 : i32
    %dma_wait3A_473 = arith.constant 0 : i32
    %dma_wait3A_474 = arith.constant 4 : i32
    %dma_wait3A_475 = tpu.memref_slice %arg3[%dma_wait3A_474] : memref<8x!tpu.dma_semaphore, #tpu.memory_space<semaphore_mem>> -> memref<1x!tpu.dma_semaphore, #tpu.memory_space<semaphore_mem>>
    %dma_wait3A_476 = tpu.memref_squeeze %dma_wait3A_475 : memref<1x!tpu.dma_semaphore, #tpu.memory_space<semaphore_mem>> -> memref<!tpu.dma_semaphore, #tpu.memory_space<semaphore_mem>>
    %dma_wait3A_477 = arith.constant 0 : i32
    %dma_wait3A_478 = arith.constant 0 : i32
    %dma_wait3A_479 = tpu.memref_slice %arg1[%dma_wait3A_473, %dma_wait3A_477, %dma_wait3A_478] : memref<2048x16x2048xf32, #tpu.memory_space<any>> -> memref<1x16x2048xf32, #tpu.memory_space<any>>
    %dma_wait3A_480 = tpu.memref_squeeze %dma_wait3A_479 : memref<1x16x2048xf32, #tpu.memory_space<any>> -> memref<16x2048xf32, #tpu.memory_space<any>>
    %dma_wait3A_481 = arith.constant 0 : i32
    %dma_wait3A_482 = arith.constant 0 : i32
    %dma_wait3A_483 = tpu.memref_slice %arg2[%dma_wait3A_472, %dma_wait3A_481, %dma_wait3A_482] : memref<128x16x3968xf32, #tpu.memory_space<vmem>> -> memref<1x16x2048xf32, #tpu.memory_space<vmem>>
    %dma_wait3A_484 = tpu.memref_squeeze %dma_wait3A_483 : memref<1x16x2048xf32, #tpu.memory_space<vmem>> -> memref<16x2048xf32, #tpu.memory_space<vmem>>
    tpu.wait_dma2 semaphore(%dma_wait3A_476 : memref<!tpu.dma_semaphore, #tpu.memory_space<semaphore_mem>>) src(%dma_wait3A_484 : memref<16x2048xf32, #tpu.memory_space<vmem>>) dst(%dma_wait3A_480 : memref<16x2048xf32, #tpu.memory_space<any>>)
    %dma_wait3A_485 = arith.constant 0 : i32
    %dma_wait3A_486 = arith.constant 0 : i32
    %dma_wait3A_487 = arith.constant 5 : i32
    %dma_wait3A_488 = tpu.memref_slice %arg3[%dma_wait3A_487] : memref<8x!tpu.dma_semaphore, #tpu.memory_space<semaphore_mem>> -> memref<1x!tpu.dma_semaphore, #tpu.memory_space<semaphore_mem>>
    %dma_wait3A_489 = tpu.memref_squeeze %dma_wait3A_488 : memref<1x!tpu.dma_semaphore, #tpu.memory_space<semaphore_mem>> -> memref<!tpu.dma_semaphore, #tpu.memory_space<semaphore_mem>>
    %dma_wait3A_490 = arith.constant 0 : i32
    %dma_wait3A_491 = arith.constant 0 : i32
    %dma_wait3A_492 = tpu.memref_slice %arg1[%dma_wait3A_486, %dma_wait3A_490, %dma_wait3A_491] : memref<2048x16x2048xf32, #tpu.memory_space<any>> -> memref<1x16x2048xf32, #tpu.memory_space<any>>
    %dma_wait3A_493 = tpu.memref_squeeze %dma_wait3A_492 : memref<1x16x2048xf32, #tpu.memory_space<any>> -> memref<16x2048xf32, #tpu.memory_space<any>>
    %dma_wait3A_494 = arith.constant 0 : i32
    %dma_wait3A_495 = arith.constant 0 : i32
    %dma_wait3A_496 = tpu.memref_slice %arg2[%dma_wait3A_485, %dma_wait3A_494, %dma_wait3A_495] : memref<128x16x3968xf32, #tpu.memory_space<vmem>> -> memref<1x16x2048xf32, #tpu.memory_space<vmem>>
    %dma_wait3A_497 = tpu.memref_squeeze %dma_wait3A_496 : memref<1x16x2048xf32, #tpu.memory_space<vmem>> -> memref<16x2048xf32, #tpu.memory_space<vmem>>
    tpu.wait_dma2 semaphore(%dma_wait3A_489 : memref<!tpu.dma_semaphore, #tpu.memory_space<semaphore_mem>>) src(%dma_wait3A_497 : memref<16x2048xf32, #tpu.memory_space<vmem>>) dst(%dma_wait3A_493 : memref<16x2048xf32, #tpu.memory_space<any>>)
    %dma_wait3A_498 = arith.constant 0 : i32
    %dma_wait3A_499 = arith.constant 0 : i32
    %dma_wait3A_500 = arith.constant 6 : i32
    %dma_wait3A_501 = tpu.memref_slice %arg3[%dma_wait3A_500] : memref<8x!tpu.dma_semaphore, #tpu.memory_space<semaphore_mem>> -> memref<1x!tpu.dma_semaphore, #tpu.memory_space<semaphore_mem>>
    %dma_wait3A_502 = tpu.memref_squeeze %dma_wait3A_501 : memref<1x!tpu.dma_semaphore, #tpu.memory_space<semaphore_mem>> -> memref<!tpu.dma_semaphore, #tpu.memory_space<semaphore_mem>>
    %dma_wait3A_503 = arith.constant 0 : i32
    %dma_wait3A_504 = arith.constant 0 : i32
    %dma_wait3A_505 = tpu.memref_slice %arg1[%dma_wait3A_499, %dma_wait3A_503, %dma_wait3A_504] : memref<2048x16x2048xf32, #tpu.memory_space<any>> -> memref<1x16x2048xf32, #tpu.memory_space<any>>
    %dma_wait3A_506 = tpu.memref_squeeze %dma_wait3A_505 : memref<1x16x2048xf32, #tpu.memory_space<any>> -> memref<16x2048xf32, #tpu.memory_space<any>>
    %dma_wait3A_507 = arith.constant 0 : i32
    %dma_wait3A_508 = arith.constant 0 : i32
    %dma_wait3A_509 = tpu.memref_slice %arg2[%dma_wait3A_498, %dma_wait3A_507, %dma_wait3A_508] : memref<128x16x3968xf32, #tpu.memory_space<vmem>> -> memref<1x16x2048xf32, #tpu.memory_space<vmem>>
    %dma_wait3A_510 = tpu.memref_squeeze %dma_wait3A_509 : memref<1x16x2048xf32, #tpu.memory_space<vmem>> -> memref<16x2048xf32, #tpu.memory_space<vmem>>
    tpu.wait_dma2 semaphore(%dma_wait3A_502 : memref<!tpu.dma_semaphore, #tpu.memory_space<semaphore_mem>>) src(%dma_wait3A_510 : memref<16x2048xf32, #tpu.memory_space<vmem>>) dst(%dma_wait3A_506 : memref<16x2048xf32, #tpu.memory_space<any>>)
    %dma_wait3A_511 = arith.constant 0 : i32
    %dma_wait3A_512 = arith.constant 0 : i32
    %dma_wait3A_513 = arith.constant 7 : i32
    %dma_wait3A_514 = tpu.memref_slice %arg3[%dma_wait3A_513] : memref<8x!tpu.dma_semaphore, #tpu.memory_space<semaphore_mem>> -> memref<1x!tpu.dma_semaphore, #tpu.memory_space<semaphore_mem>>
    %dma_wait3A_515 = tpu.memref_squeeze %dma_wait3A_514 : memref<1x!tpu.dma_semaphore, #tpu.memory_space<semaphore_mem>> -> memref<!tpu.dma_semaphore, #tpu.memory_space<semaphore_mem>>
    %dma_wait3A_516 = arith.constant 0 : i32
    %dma_wait3A_517 = arith.constant 0 : i32
    %dma_wait3A_518 = tpu.memref_slice %arg1[%dma_wait3A_512, %dma_wait3A_516, %dma_wait3A_517] : memref<2048x16x2048xf32, #tpu.memory_space<any>> -> memref<1x16x2048xf32, #tpu.memory_space<any>>
    %dma_wait3A_519 = tpu.memref_squeeze %dma_wait3A_518 : memref<1x16x2048xf32, #tpu.memory_space<any>> -> memref<16x2048xf32, #tpu.memory_space<any>>
    %dma_wait3A_520 = arith.constant 0 : i32
    %dma_wait3A_521 = arith.constant 0 : i32
    %dma_wait3A_522 = tpu.memref_slice %arg2[%dma_wait3A_511, %dma_wait3A_520, %dma_wait3A_521] : memref<128x16x3968xf32, #tpu.memory_space<vmem>> -> memref<1x16x2048xf32, #tpu.memory_space<vmem>>
    %dma_wait3A_523 = tpu.memref_squeeze %dma_wait3A_522 : memref<1x16x2048xf32, #tpu.memory_space<vmem>> -> memref<16x2048xf32, #tpu.memory_space<vmem>>
    tpu.wait_dma2 semaphore(%dma_wait3A_515 : memref<!tpu.dma_semaphore, #tpu.memory_space<semaphore_mem>>) src(%dma_wait3A_523 : memref<16x2048xf32, #tpu.memory_space<vmem>>) dst(%dma_wait3A_519 : memref<16x2048xf32, #tpu.memory_space<any>>)
    %dma_wait3A_524 = arith.constant 0 : i32
    %dma_wait3A_525 = arith.constant 0 : i32
    %dma_wait3A_526 = arith.constant 0 : i32
    %dma_wait3A_527 = tpu.memref_slice %arg3[%dma_wait3A_526] : memref<8x!tpu.dma_semaphore, #tpu.memory_space<semaphore_mem>> -> memref<1x!tpu.dma_semaphore, #tpu.memory_space<semaphore_mem>>
    %dma_wait3A_528 = tpu.memref_squeeze %dma_wait3A_527 : memref<1x!tpu.dma_semaphore, #tpu.memory_space<semaphore_mem>> -> memref<!tpu.dma_semaphore, #tpu.memory_space<semaphore_mem>>
    %dma_wait3A_529 = arith.constant 0 : i32
    %dma_wait3A_530 = arith.constant 0 : i32
    %dma_wait3A_531 = tpu.memref_slice %arg1[%dma_wait3A_525, %dma_wait3A_529, %dma_wait3A_530] : memref<2048x16x2048xf32, #tpu.memory_space<any>> -> memref<1x16x2048xf32, #tpu.memory_space<any>>
    %dma_wait3A_532 = tpu.memref_squeeze %dma_wait3A_531 : memref<1x16x2048xf32, #tpu.memory_space<any>> -> memref<16x2048xf32, #tpu.memory_space<any>>
    %dma_wait3A_533 = arith.constant 0 : i32
    %dma_wait3A_534 = arith.constant 0 : i32
    %dma_wait3A_535 = tpu.memref_slice %arg2[%dma_wait3A_524, %dma_wait3A_533, %dma_wait3A_534] : memref<128x16x3968xf32, #tpu.memory_space<vmem>> -> memref<1x16x2048xf32, #tpu.memory_space<vmem>>
    %dma_wait3A_536 = tpu.memref_squeeze %dma_wait3A_535 : memref<1x16x2048xf32, #tpu.memory_space<vmem>> -> memref<16x2048xf32, #tpu.memory_space<vmem>>
    tpu.wait_dma2 semaphore(%dma_wait3A_528 : memref<!tpu.dma_semaphore, #tpu.memory_space<semaphore_mem>>) src(%dma_wait3A_536 : memref<16x2048xf32, #tpu.memory_space<vmem>>) dst(%dma_wait3A_532 : memref<16x2048xf32, #tpu.memory_space<any>>)
    %dma_wait3A_537 = arith.constant 0 : i32
    %dma_wait3A_538 = arith.constant 0 : i32
    %dma_wait3A_539 = arith.constant 1 : i32
    %dma_wait3A_540 = tpu.memref_slice %arg3[%dma_wait3A_539] : memref<8x!tpu.dma_semaphore, #tpu.memory_space<semaphore_mem>> -> memref<1x!tpu.dma_semaphore, #tpu.memory_space<semaphore_mem>>
    %dma_wait3A_541 = tpu.memref_squeeze %dma_wait3A_540 : memref<1x!tpu.dma_semaphore, #tpu.memory_space<semaphore_mem>> -> memref<!tpu.dma_semaphore, #tpu.memory_space<semaphore_mem>>
    %dma_wait3A_542 = arith.constant 0 : i32
    %dma_wait3A_543 = arith.constant 0 : i32
    %dma_wait3A_544 = tpu.memref_slice %arg1[%dma_wait3A_538, %dma_wait3A_542, %dma_wait3A_543] : memref<2048x16x2048xf32, #tpu.memory_space<any>> -> memref<1x16x2048xf32, #tpu.memory_space<any>>
    %dma_wait3A_545 = tpu.memref_squeeze %dma_wait3A_544 : memref<1x16x2048xf32, #tpu.memory_space<any>> -> memref<16x2048xf32, #tpu.memory_space<any>>
    %dma_wait3A_546 = arith.constant 0 : i32
    %dma_wait3A_547 = arith.constant 0 : i32
    %dma_wait3A_548 = tpu.memref_slice %arg2[%dma_wait3A_537, %dma_wait3A_546, %dma_wait3A_547] : memref<128x16x3968xf32, #tpu.memory_space<vmem>> -> memref<1x16x2048xf32, #tpu.memory_space<vmem>>
    %dma_wait3A_549 = tpu.memref_squeeze %dma_wait3A_548 : memref<1x16x2048xf32, #tpu.memory_space<vmem>> -> memref<16x2048xf32, #tpu.memory_space<vmem>>
    tpu.wait_dma2 semaphore(%dma_wait3A_541 : memref<!tpu.dma_semaphore, #tpu.memory_space<semaphore_mem>>) src(%dma_wait3A_549 : memref<16x2048xf32, #tpu.memory_space<vmem>>) dst(%dma_wait3A_545 : memref<16x2048xf32, #tpu.memory_space<any>>)
    %dma_wait3A_550 = arith.constant 0 : i32
    %dma_wait3A_551 = arith.constant 0 : i32
    %dma_wait3A_552 = arith.constant 2 : i32
    %dma_wait3A_553 = tpu.memref_slice %arg3[%dma_wait3A_552] : memref<8x!tpu.dma_semaphore, #tpu.memory_space<semaphore_mem>> -> memref<1x!tpu.dma_semaphore, #tpu.memory_space<semaphore_mem>>
    %dma_wait3A_554 = tpu.memref_squeeze %dma_wait3A_553 : memref<1x!tpu.dma_semaphore, #tpu.memory_space<semaphore_mem>> -> memref<!tpu.dma_semaphore, #tpu.memory_space<semaphore_mem>>
    %dma_wait3A_555 = arith.constant 0 : i32
    %dma_wait3A_556 = arith.constant 0 : i32
    %dma_wait3A_557 = tpu.memref_slice %arg1[%dma_wait3A_551, %dma_wait3A_555, %dma_wait3A_556] : memref<2048x16x2048xf32, #tpu.memory_space<any>> -> memref<1x16x2048xf32, #tpu.memory_space<any>>
    %dma_wait3A_558 = tpu.memref_squeeze %dma_wait3A_557 : memref<1x16x2048xf32, #tpu.memory_space<any>> -> memref<16x2048xf32, #tpu.memory_space<any>>
    %dma_wait3A_559 = arith.constant 0 : i32
    %dma_wait3A_560 = arith.constant 0 : i32
    %dma_wait3A_561 = tpu.memref_slice %arg2[%dma_wait3A_550, %dma_wait3A_559, %dma_wait3A_560] : memref<128x16x3968xf32, #tpu.memory_space<vmem>> -> memref<1x16x2048xf32, #tpu.memory_space<vmem>>
    %dma_wait3A_562 = tpu.memref_squeeze %dma_wait3A_561 : memref<1x16x2048xf32, #tpu.memory_space<vmem>> -> memref<16x2048xf32, #tpu.memory_space<vmem>>
    tpu.wait_dma2 semaphore(%dma_wait3A_554 : memref<!tpu.dma_semaphore, #tpu.memory_space<semaphore_mem>>) src(%dma_wait3A_562 : memref<16x2048xf32, #tpu.memory_space<vmem>>) dst(%dma_wait3A_558 : memref<16x2048xf32, #tpu.memory_space<any>>)
    %dma_wait3A_563 = arith.constant 0 : i32
    %dma_wait3A_564 = arith.constant 0 : i32
    %dma_wait3A_565 = arith.constant 3 : i32
    %dma_wait3A_566 = tpu.memref_slice %arg3[%dma_wait3A_565] : memref<8x!tpu.dma_semaphore, #tpu.memory_space<semaphore_mem>> -> memref<1x!tpu.dma_semaphore, #tpu.memory_space<semaphore_mem>>
    %dma_wait3A_567 = tpu.memref_squeeze %dma_wait3A_566 : memref<1x!tpu.dma_semaphore, #tpu.memory_space<semaphore_mem>> -> memref<!tpu.dma_semaphore, #tpu.memory_space<semaphore_mem>>
    %dma_wait3A_568 = arith.constant 0 : i32
    %dma_wait3A_569 = arith.constant 0 : i32
    %dma_wait3A_570 = tpu.memref_slice %arg1[%dma_wait3A_564, %dma_wait3A_568, %dma_wait3A_569] : memref<2048x16x2048xf32, #tpu.memory_space<any>> -> memref<1x16x2048xf32, #tpu.memory_space<any>>
    %dma_wait3A_571 = tpu.memref_squeeze %dma_wait3A_570 : memref<1x16x2048xf32, #tpu.memory_space<any>> -> memref<16x2048xf32, #tpu.memory_space<any>>
    %dma_wait3A_572 = arith.constant 0 : i32
    %dma_wait3A_573 = arith.constant 0 : i32
    %dma_wait3A_574 = tpu.memref_slice %arg2[%dma_wait3A_563, %dma_wait3A_572, %dma_wait3A_573] : memref<128x16x3968xf32, #tpu.memory_space<vmem>> -> memref<1x16x2048xf32, #tpu.memory_space<vmem>>
    %dma_wait3A_575 = tpu.memref_squeeze %dma_wait3A_574 : memref<1x16x2048xf32, #tpu.memory_space<vmem>> -> memref<16x2048xf32, #tpu.memory_space<vmem>>
    tpu.wait_dma2 semaphore(%dma_wait3A_567 : memref<!tpu.dma_semaphore, #tpu.memory_space<semaphore_mem>>) src(%dma_wait3A_575 : memref<16x2048xf32, #tpu.memory_space<vmem>>) dst(%dma_wait3A_571 : memref<16x2048xf32, #tpu.memory_space<any>>)
    %dma_wait3A_576 = arith.constant 0 : i32
    %dma_wait3A_577 = arith.constant 0 : i32
    %dma_wait3A_578 = arith.constant 4 : i32
    %dma_wait3A_579 = tpu.memref_slice %arg3[%dma_wait3A_578] : memref<8x!tpu.dma_semaphore, #tpu.memory_space<semaphore_mem>> -> memref<1x!tpu.dma_semaphore, #tpu.memory_space<semaphore_mem>>
    %dma_wait3A_580 = tpu.memref_squeeze %dma_wait3A_579 : memref<1x!tpu.dma_semaphore, #tpu.memory_space<semaphore_mem>> -> memref<!tpu.dma_semaphore, #tpu.memory_space<semaphore_mem>>
    %dma_wait3A_581 = arith.constant 0 : i32
    %dma_wait3A_582 = arith.constant 0 : i32
    %dma_wait3A_583 = tpu.memref_slice %arg1[%dma_wait3A_577, %dma_wait3A_581, %dma_wait3A_582] : memref<2048x16x2048xf32, #tpu.memory_space<any>> -> memref<1x16x2048xf32, #tpu.memory_space<any>>
    %dma_wait3A_584 = tpu.memref_squeeze %dma_wait3A_583 : memref<1x16x2048xf32, #tpu.memory_space<any>> -> memref<16x2048xf32, #tpu.memory_space<any>>
    %dma_wait3A_585 = arith.constant 0 : i32
    %dma_wait3A_586 = arith.constant 0 : i32
    %dma_wait3A_587 = tpu.memref_slice %arg2[%dma_wait3A_576, %dma_wait3A_585, %dma_wait3A_586] : memref<128x16x3968xf32, #tpu.memory_space<vmem>> -> memref<1x16x2048xf32, #tpu.memory_space<vmem>>
    %dma_wait3A_588 = tpu.memref_squeeze %dma_wait3A_587 : memref<1x16x2048xf32, #tpu.memory_space<vmem>> -> memref<16x2048xf32, #tpu.memory_space<vmem>>
    tpu.wait_dma2 semaphore(%dma_wait3A_580 : memref<!tpu.dma_semaphore, #tpu.memory_space<semaphore_mem>>) src(%dma_wait3A_588 : memref<16x2048xf32, #tpu.memory_space<vmem>>) dst(%dma_wait3A_584 : memref<16x2048xf32, #tpu.memory_space<any>>)
    %dma_wait3A_589 = arith.constant 0 : i32
    %dma_wait3A_590 = arith.constant 0 : i32
    %dma_wait3A_591 = arith.constant 5 : i32
    %dma_wait3A_592 = tpu.memref_slice %arg3[%dma_wait3A_591] : memref<8x!tpu.dma_semaphore, #tpu.memory_space<semaphore_mem>> -> memref<1x!tpu.dma_semaphore, #tpu.memory_space<semaphore_mem>>
    %dma_wait3A_593 = tpu.memref_squeeze %dma_wait3A_592 : memref<1x!tpu.dma_semaphore, #tpu.memory_space<semaphore_mem>> -> memref<!tpu.dma_semaphore, #tpu.memory_space<semaphore_mem>>
    %dma_wait3A_594 = arith.constant 0 : i32
    %dma_wait3A_595 = arith.constant 0 : i32
    %dma_wait3A_596 = tpu.memref_slice %arg1[%dma_wait3A_590, %dma_wait3A_594, %dma_wait3A_595] : memref<2048x16x2048xf32, #tpu.memory_space<any>> -> memref<1x16x2048xf32, #tpu.memory_space<any>>
    %dma_wait3A_597 = tpu.memref_squeeze %dma_wait3A_596 : memref<1x16x2048xf32, #tpu.memory_space<any>> -> memref<16x2048xf32, #tpu.memory_space<any>>
    %dma_wait3A_598 = arith.constant 0 : i32
    %dma_wait3A_599 = arith.constant 0 : i32
    %dma_wait3A_600 = tpu.memref_slice %arg2[%dma_wait3A_589, %dma_wait3A_598, %dma_wait3A_599] : memref<128x16x3968xf32, #tpu.memory_space<vmem>> -> memref<1x16x2048xf32, #tpu.memory_space<vmem>>
    %dma_wait3A_601 = tpu.memref_squeeze %dma_wait3A_600 : memref<1x16x2048xf32, #tpu.memory_space<vmem>> -> memref<16x2048xf32, #tpu.memory_space<vmem>>
    tpu.wait_dma2 semaphore(%dma_wait3A_593 : memref<!tpu.dma_semaphore, #tpu.memory_space<semaphore_mem>>) src(%dma_wait3A_601 : memref<16x2048xf32, #tpu.memory_space<vmem>>) dst(%dma_wait3A_597 : memref<16x2048xf32, #tpu.memory_space<any>>)
    %dma_wait3A_602 = arith.constant 0 : i32
    %dma_wait3A_603 = arith.constant 0 : i32
    %dma_wait3A_604 = arith.constant 6 : i32
    %dma_wait3A_605 = tpu.memref_slice %arg3[%dma_wait3A_604] : memref<8x!tpu.dma_semaphore, #tpu.memory_space<semaphore_mem>> -> memref<1x!tpu.dma_semaphore, #tpu.memory_space<semaphore_mem>>
    %dma_wait3A_606 = tpu.memref_squeeze %dma_wait3A_605 : memref<1x!tpu.dma_semaphore, #tpu.memory_space<semaphore_mem>> -> memref<!tpu.dma_semaphore, #tpu.memory_space<semaphore_mem>>
    %dma_wait3A_607 = arith.constant 0 : i32
    %dma_wait3A_608 = arith.constant 0 : i32
    %dma_wait3A_609 = tpu.memref_slice %arg1[%dma_wait3A_603, %dma_wait3A_607, %dma_wait3A_608] : memref<2048x16x2048xf32, #tpu.memory_space<any>> -> memref<1x16x2048xf32, #tpu.memory_space<any>>
    %dma_wait3A_610 = tpu.memref_squeeze %dma_wait3A_609 : memref<1x16x2048xf32, #tpu.memory_space<any>> -> memref<16x2048xf32, #tpu.memory_space<any>>
    %dma_wait3A_611 = arith.constant 0 : i32
    %dma_wait3A_612 = arith.constant 0 : i32
    %dma_wait3A_613 = tpu.memref_slice %arg2[%dma_wait3A_602, %dma_wait3A_611, %dma_wait3A_612] : memref<128x16x3968xf32, #tpu.memory_space<vmem>> -> memref<1x16x2048xf32, #tpu.memory_space<vmem>>
    %dma_wait3A_614 = tpu.memref_squeeze %dma_wait3A_613 : memref<1x16x2048xf32, #tpu.memory_space<vmem>> -> memref<16x2048xf32, #tpu.memory_space<vmem>>
    tpu.wait_dma2 semaphore(%dma_wait3A_606 : memref<!tpu.dma_semaphore, #tpu.memory_space<semaphore_mem>>) src(%dma_wait3A_614 : memref<16x2048xf32, #tpu.memory_space<vmem>>) dst(%dma_wait3A_610 : memref<16x2048xf32, #tpu.memory_space<any>>)
    %dma_wait3A_615 = arith.constant 0 : i32
    %dma_wait3A_616 = arith.constant 0 : i32
    %dma_wait3A_617 = arith.constant 7 : i32
    %dma_wait3A_618 = tpu.memref_slice %arg3[%dma_wait3A_617] : memref<8x!tpu.dma_semaphore, #tpu.memory_space<semaphore_mem>> -> memref<1x!tpu.dma_semaphore, #tpu.memory_space<semaphore_mem>>
    %dma_wait3A_619 = tpu.memref_squeeze %dma_wait3A_618 : memref<1x!tpu.dma_semaphore, #tpu.memory_space<semaphore_mem>> -> memref<!tpu.dma_semaphore, #tpu.memory_space<semaphore_mem>>
    %dma_wait3A_620 = arith.constant 0 : i32
    %dma_wait3A_621 = arith.constant 0 : i32
    %dma_wait3A_622 = tpu.memref_slice %arg1[%dma_wait3A_616, %dma_wait3A_620, %dma_wait3A_621] : memref<2048x16x2048xf32, #tpu.memory_space<any>> -> memref<1x16x2048xf32, #tpu.memory_space<any>>
    %dma_wait3A_623 = tpu.memref_squeeze %dma_wait3A_622 : memref<1x16x2048xf32, #tpu.memory_space<any>> -> memref<16x2048xf32, #tpu.memory_space<any>>
    %dma_wait3A_624 = arith.constant 0 : i32
    %dma_wait3A_625 = arith.constant 0 : i32
    %dma_wait3A_626 = tpu.memref_slice %arg2[%dma_wait3A_615, %dma_wait3A_624, %dma_wait3A_625] : memref<128x16x3968xf32, #tpu.memory_space<vmem>> -> memref<1x16x2048xf32, #tpu.memory_space<vmem>>
    %dma_wait3A_627 = tpu.memref_squeeze %dma_wait3A_626 : memref<1x16x2048xf32, #tpu.memory_space<vmem>> -> memref<16x2048xf32, #tpu.memory_space<vmem>>
    tpu.wait_dma2 semaphore(%dma_wait3A_619 : memref<!tpu.dma_semaphore, #tpu.memory_space<semaphore_mem>>) src(%dma_wait3A_627 : memref<16x2048xf32, #tpu.memory_space<vmem>>) dst(%dma_wait3A_623 : memref<16x2048xf32, #tpu.memory_space<any>>)
    return
  }
}

</mosaic_0001>

<sc_bundles>
// kernel: kernel.4.cloned.1.call-start
scs
__scs_entry_jumppad:
0x0: {  	(pc) =	sbr.rel $0x88, $3  }
0x1: {  	(tag) =	ssettag $0x0;
	lr =	simm.s32 $0x1  }
0x2: {  	[smem:$0x3FA0] =	sst lr;
	_ =	strace $0xD0000000  }
0x3: {  	_ = 	snop  }
0x4: {  	_ = 	snop  }
0x5: {  	_ = 	snop  }
0x6: {  	_ = 	snop  }
0x7: {  	_ = 	snop  }
__scs_overlays_trampoline_lowered:
0x8: {  	[smem:$0x3FAF] =	sst s0  }
0x9: {  	[smem:$0x3FB0] =	sst s1  }
0xa: {  	[smem:$0x3FB1] =	sst s2  }
0xb: {  	[smem:$0x3FB2] =	sst s3  }
0xc: {  	[smem:$0x3FB3] =	sst s4  }
0xd: {  	[smem:$0x3FB4] =	sst s5  }
0xe: {  	[smem:$0x3FB5] =	sst s6  }
0xf: {  	[smem:$0x3FB6] =	sst s7  }
0x10: {  	[smem:$0x3FB7] =	sst s8  }
0x11: {  	[smem:$0x3FB8] =	sst s9;
	s0 =	simm.s32 @!p0 $0x0  }
0x12: {  	s1 =	sld [smem:$0x3F9E];
	s0 =	simm.s32 @p0 $0x1  }
0x13: {  	[smem:$0x3FB9] =	sst s0;
	s0 =	simm.s32 @!p1 $0x0  }
0x14: {  	s2 =	sld [smem:$0x3F9D];
	s0 =	simm.s32 @p1 $0x1  }
0x15: {  	[smem:$0x3FBA] =	sst s0;
	s0 =	simm.s32 @!p2 $0x0  }
0x16: {  	s3 =	sld [smem:$0x3FDB];
	s0 =	simm.s32 @p2 $0x1  }
0x17: {  	s4 =	simm.s32 $0x1BF5;
	[smem:$0x3FBC] =	sst s0  }
0x18: {  	s0 =	sld [smem:$0x3F9F];
	_ =	swait.ge [sflag:s4], $0x0  }
0x19: {  	s7 =	sld [smem:$0x3FA0]  }
0x1a: {  	s8 =	sadd.s32 $0xFFFFE003, lr  }
0x1b: {  	s9 =	sadd.s32 $0xFFFFFEF7, lr;
	s5 =	simm.s32 $0xFFFFFFFF;
	p2 =	slt.u32 s8, $0xFFFFF086  }
0x1c: {  	p1 =	slt.u32 s9, $0xF7A;
	s5 =	simm.s32 @!p2 $0x0  }
0x1d: {  	s5 =	simm.s32 @p1 $0x1;
	p0 =	seq.s32 s7, s2  }
0x1e: {  	s7 =	smul.u32 @!p0 $0xF7A, s2;
	p2 =	seq.s32 @!p0 s5, $0x0  }
0x1f: {  	s9 =	smul.u32 $0xF7A, s1;
	s8 =	simm.s32 @!p0 $0x1BF5;
	p2 =	por !p2, p0  }
0x20: {  	[sflag:s8] =	ssyncset.s32 @!p0 $0xFFFFF086;
	s6 =	sadd.s32 @!p0 s3, s7;
	s7 =	simm.s32 @!p0 $0x108  }
0x21: {  	s3 =	sadd.s32 s3, s9;
	s6 =	sadd.s32 @!p0 $0x88, s6;
	s7 =	simm.s32 @p2 $0x1082  }
0x22: {  	[simem:s7], [sflag:s8] =	dma.local @!p0 [hbm:s6], $0xF7A  }
0x23: {  	s9 =	sor.u32 $0xD0000000, s2;
	s6 =	simm.s32 $0x108;
	_ =	swait.ge @!p0 [sflag:s8], $0x0  }
0x24: {  	s3 =	sadd.s32 $0x88, s3;
	s6 =	simm.s32 @!p1 $0x1082;
	[sflag:s4] =	ssyncset.s32 $0xFFFFF086  }
0x25: {  	[simem:s6], [sflag:s4] =	dma.local [hbm:s3], $0xF7A  }
0x26: {  	[smem:$0x3FA0] =	sst s1;
	(tag) =	ssettag s2;
	_ =	strace s9  }
0x27: {  	s1 =	sld [smem:$0x3FB0]  }
0x28: {  	s2 =	sld [smem:$0x3FB1]  }
0x29: {  	s4 =	sld [smem:$0x3FB3]  }
0x2a: {  	p0 =	seq.s32 s5, $0x0;
	s5 =	sld [smem:$0x3FB4]  }
0x2b: {  	s6 =	sld [smem:$0x3FB5]  }
0x2c: {  	s7 =	sld [smem:$0x3FB6]  }
0x2d: {  	s3 =	simm.s32 $0x108;
	s8 =	sld [smem:$0x3FB7]  }
0x2e: {  	s3 =	simm.s32 @!p0 $0x1082;
	s9 =	sld [smem:$0x3FB8]  }
0x2f: {  	lr =	sadd.s32 s0, s3;
	s0 =	sld [smem:$0x3FAF]  }
0x30: {  	s3 =	sld [smem:$0x3FB2]  }
0x31: {  	[smem:$0x3FBB] =	sst s10  }
0x32: {  	s10 =	sld [smem:$0x3FB9];
	_ =	sdelay $0x3  }
0x33: {  	p0 =	seq.s32 s10, $0x1;
	s10 =	sld [smem:$0x3FBB];
	_ =	sdelay $0x3  }
0x34: {  	[smem:$0x3FBB] =	sst s10  }
0x35: {  	s10 =	sld [smem:$0x3FBA];
	_ =	sdelay $0x3  }
0x36: {  	p1 =	seq.s32 s10, $0x1;
	s10 =	sld [smem:$0x3FBB];
	_ =	sdelay $0x3  }
0x37: {  	[smem:$0x3FBB] =	sst s10  }
0x38: {  	s10 =	sld [smem:$0x3FBC]  }
0x39: {  	_ = 	snop;
	(pc) =	sbr.ind lr, $3  }
0x3a: {  	_ = 	snop  }
0x3b: {  	_ = 	snop  }
0x3c: {  	p2 =	seq.s32 s10, $0x1;
	s10 =	sld [smem:$0x3FBB]  }
0x3d: {  	_ =	shalt  }
0x3e: {  	_ =	shalt  }
0x3f: {  	_ =	shalt  }
0x40: {  	_ =	shalt  }
0x41: {  	_ =	shalt  }
0x42: {  	_ =	shalt  }
0x43: {  	_ =	shalt  }
0x44: {  	_ =	shalt  }
0x45: {  	_ =	shalt  }
0x46: {  	_ =	shalt  }
0x47: {  	_ =	shalt  }
0x48: {  	_ =	shalt  }
0x49: {  	_ =	shalt  }
0x4a: {  	_ =	shalt  }
0x4b: {  	_ =	shalt  }
0x4c: {  	_ =	shalt  }
0x4d: {  	_ =	shalt  }
0x4e: {  	_ =	shalt  }
0x4f: {  	_ =	shalt  }
0x50: {  	_ =	shalt  }
0x51: {  	_ =	shalt  }
0x52: {  	_ =	shalt  }
0x53: {  	_ =	shalt  }
0x54: {  	_ =	shalt  }
0x55: {  	_ =	shalt  }
0x56: {  	_ =	shalt  }
0x57: {  	_ =	shalt  }
0x58: {  	_ =	shalt  }
0x59: {  	_ =	shalt  }
0x5a: {  	_ =	shalt  }
0x5b: {  	_ =	shalt  }
0x5c: {  	_ =	shalt  }
0x5d: {  	_ =	shalt  }
0x5e: {  	_ =	shalt  }
0x5f: {  	_ =	shalt  }
0x60: {  	_ =	shalt  }
0x61: {  	_ =	shalt  }
0x62: {  	_ =	shalt  }
0x63: {  	_ =	shalt  }
0x64: {  	_ =	shalt  }
0x65: {  	_ =	shalt  }
0x66: {  	_ =	shalt  }
0x67: {  	_ =	shalt  }
0x68: {  	_ =	shalt  }
0x69: {  	_ =	shalt  }
0x6a: {  	_ =	shalt  }
0x6b: {  	_ =	shalt  }
0x6c: {  	_ =	shalt  }
0x6d: {  	_ =	shalt  }
0x6e: {  	_ =	shalt  }
0x6f: {  	_ =	shalt  }
0x70: {  	_ =	shalt  }
0x71: {  	_ =	shalt  }
0x72: {  	_ =	shalt  }
0x73: {  	_ =	shalt  }
0x74: {  	_ =	shalt  }
0x75: {  	_ =	shalt  }
0x76: {  	_ =	shalt  }
0x77: {  	_ =	shalt  }
0x78: {  	_ =	shalt  }
0x79: {  	_ =	shalt  }
0x7a: {  	_ =	shalt  }
0x7b: {  	_ =	shalt  }
0x7c: {  	_ =	shalt  }
0x7d: {  	_ =	shalt  }
0x7e: {  	_ =	shalt  }
0x7f: {  	_ =	shalt  }
0x80: {  	_ =	shalt  }
0x81: {  	_ =	shalt  }
0x82: {  	_ =	shalt  }
0x83: {  	_ =	shalt  }
0x84: {  	_ =	shalt  }
0x85: {  	_ =	shalt  }
0x86: {  	_ =	shalt  }
0x87: {  	_ =	shalt  }
.Lfunc_end0:
.L_simem_size_0:
called_computation_lowered:
.L_overlay_start_0:
0x88: {  	s2 =	sld [smem:$0x3FD9]  }
0x89: {  	s3 =	sld [smem:$0x3FFE];
	_ =	sdelay $0x1  }
0x8a: {  	s1 =	srdreg.scid  }
0x8b: {  	s0 =	sand.u32 $0x1, s1  }
0x8c: {  	s17 =	sshll.u32 s0, $0xA;
	s2 =	sadd.s32 s3, s2  }
0x8d: {  	s2 =	sadd.s32 s2, s17  }
0x8e: {  	[smem:$0x3FC7] =	sst s2  }
0x8f: {  	_ = 	snop  }
0x90: {  	s2 =	sld [smem:$0x3FC9];
	(tm) =	ssettm $0x1  }
0x91: {  	s18 =	sld [smem:$0x3FFB];
	_ =	sdelay $0x3  }
0x92: {  	_ =	strace s18  }
0x93: {  	s3 =	sld [smem:$0x3FFC];
	_ =	sdelay $0x3  }
0x94: {  	_ =	strace s3  }
0x95: {  	s3 =	sld [smem:$0x3FFD];
	_ =	sdelay $0x3  }
0x96: {  	_ =	strace s3  }
0x97: {  	_ =	strace $0x8FFFFFFF  }
0x98: {  	s19 =	sld [smem:$0x3FDB];
	_ =	sdelay $0x1  }
0x99: {  	s4 =	simm.s32 $_scs_section_size  }
0x9a: {  	s5 =	simm.s32 $_size__tile_overlayer_lowered;
	s6 =	simm.s32 $_tile_overlayer_lowered  }
0x9b: {  	s22 =	simm.s32 $0x1BFF;
	s21 =	sshll.u32 s6, $0x1;
	s3 =	sadd.s32 s4, s19  }
0x9c: {  	s7 =	simm.s32 $0x0;
	s20 =	sshll.u32 s5, $0x1;
	s5 =	sadd.s32 s21, s3  }
0x9d: {  	[timem:s7], [sflag:s22] =	dma.local [hbm:s5], s20  }
0x9e: {  	_ =	swait.ge [sflag:s22], s20  }
0x9f: {  	s4 =	ssub.s32 $0x0, s20;
	[sflag:s22] =	ssyncset.done $0x0  }
0xa0: {  	[sflag:s22] =	ssyncadd.s32 s4;
	_ =	sdelay $0x1  }
0xa1: {  	s23 =	simm.s32 $0x1B8B  }
0xa2: {  	_ =	swait.ge [sflag:s23], $0x1  }
0xa3: {  	[sflag:s23] =	ssyncset.done $0x0  }
0xa4: {  	s25 =	simm.s32 $0x1B8E;
	s24 =	sld [smem:$0x3FFE];
	[sflag:s23] =	ssyncadd.s32 $0xFFFFFFFF  }
0xa5: {  	s26 =	simm.s32 $execute0_lowered;
	[smem:$0x3FD2] =	sst s25  }
0xa6: {  	s5 =	sshll.u32 s26, $0x1;
	_ =	strace $0x80000046;
	[dreg:$0x1] =	wrdreg $0xFFFFFFFF  }
0xa7: {  	s28 =	simm.s32 $_size_execute0_lowered;
	s3 =	sadd.s32 s3, s5;
	[dreg:$0x0] =	wrdreg $0x0  }
0xa8: {  	s5 =	sshll.u32 s28, $0x1;
	[dreg:$0x2] =	wrdreg s3  }
0xa9: {  	[dreg:$0x3] =	wrdreg s5  }
0xaa: {  	[dreg:$0x4] =	wrdreg $0xC0  }
0xab: {  	_ =	task [dreg:s7], $0x5FFFF  }
0xac: {  	[dreg:$0x1] =	wrdreg $0xFFFFFFFF  }
0xad: {  	[dreg:$0x0] =	wrdreg $0x60  }
0xae: {  	[dreg:$0x2] =	wrdreg s2  }
0xaf: {  	[dreg:$0x3] =	wrdreg s24  }
0xb0: {  	[dreg:$0x4] =	wrdreg $0x9  }
0xb1: {  	_ =	task.clear_ibuf [dreg:s7], $0x5FFFF;
	_ =	strace $0x90000046  }
0xb2: {  	s29 =	simm.s32 $0x9;
	_ =	strace $0x80000048  }
0xb3: {  	_ =	swait.ge [sflag:s29], $0x1  }
0xb4: {  	[sflag:s29] =	ssyncadd.s32 $0xFFFFFFFF  }
0xb5: {  	_ =	strace $0x90000048  }
0xb6: {  	_ =	sfence  }
0xb7: {  	s30 =	sld [smem:$0x0];
	_ =	sdelay $0x2  }
0xb8: {  	s31 =	sshll.u32 s1, $0xD;
	s1 =	sshrl.u32 s1, $0x2  }
0xb9: {  	s3 =	sand.u32 $0x4000, s31;
	s1 =	sadd.s32 s1, s30  }
0xba: {  	s0 =	sor.u32 s3, s0;
	s1 =	sshll.u32 s1, $0x11  }
0xbb: {  	s0 =	sor.u32 s1, s0  }
0xbc: {  	s0 =	sadd.s32 $0x8F2B, s0  }
0xbd: {  	[sflag:s0] =	ssyncadd.remote.s32 $0x1  }
0xbe: {  	_ =	sfence.sel $0xFFFF  }
0xbf: {  	[dreg:$0x0] =	wrdreg $0xFFFFFFFF;
	(pc) =	sbr.abs _section_cstart, $3  }
0xc0: {  	[dreg:$0x1] =	wrdreg $0xFFFFFFFF  }
0xc1: {  	_ =	task.clear_ibuf [dreg:s7], $0x2FFFF;
	_ =	strace $0x9FFFFFFF  }
0xc2: {  	(tm) =	ssettm $0x7FFFFFFF  }
0xc3: {  	_ =	shalt  }
tec
execute0_lowered:
.L_overlay_start_1:
0x0: {  	(tag) =	ssettag $0x1  }
0x1: {  	s2 =	rddreg [dreg:$0x0];
	s0 =	srdreg.scid  }
0x2: {  	s5 =	rddreg [dreg:$0x1];
	s1 =	stileid.u32;
	s3 =	simm.s32 $0x0  }
0x3: {  	s9 =	simm.s32 $0x800;
	s10 =	simm.s32 $0xC00;
	s6 =	sand.u32 $0x1, s0  }
0x4: {  	s11 =	simm.s32 $0x0;
	s4 =	sshll.u32 s1, $0x8;
	s7 =	sshll.u32 s6, $0x7  }
0x5: {  	s0 =	rddreg [dreg:$0x2];
	s6 =	ssub.s32 $0x2, s6;
	s4 =	sor.u32 s7, s4  }
0x6: {  	[smem:$0x7FF] =	sst s3;
	s31 =	sshrl.u32 s6, $0x1;
	s7 =	sadd.s32 s4, s5  }
0x7: {  	v0 =	vlaneseq.u32;
	_ =	strace $0x80000047;
	s8 =	ssub.s32 s6, s31;
	s5 =	sadd.s32 $0x400, s7  }
0x8: {  	v0 =	vmul.u32 $0xFFFFFFFF, v0;
	s6 =	sadd.s32 $0x1400, s7;
	s7 =	smax.u32 s8, $0x1;
	s8 =	simm.s32 $0x1  }
.LBB2_1:
0x9: {  	s12 =	sand.u32 $0x70, s3  }
0xa: {  	s13 =	sor.u32 s12, s4  }
0xb: {  	s13 =	ssub.s32 $0x81F, s13  }
0xc: {  	v1 =	vadd.s32 s13, v0  }
0xd: {  	s30 =	simm.s32 $0x10;
	s14 =	simm.s32 $0x0;
	vm0 =	vgt.s32 v1, $0x0  }
0xe: {  	[tilespmem:s3], [sflag:$0x1] =	stream.linear.gather [hbm4b:s2+s3], $0x800, $0x38;
	v1 =	vnsel vm0, $0x0, v1;
	[tilespmem:$0x1000] =	vst v63  }
0xf: {  	s15 =	sand.u32 $0xFFFFFF80, s14;
	s13 =	sand.u32 $0x70, s30;
	v1 =	vmin.u32 v1, $0x40  }
0x10: {  	s16 =	sor.u32 s13, s4;
	v1 =	vor.u32 s15, v1  }
0x11: {  	s31 =	ssub.s32 $0x81F, s16  }
0x12: {  	_ =	swait.ge [sflag:s8], $0x800;
	v2 =	vadd.s32 s31, v0  }
0x13: {  	[sflag:s8] =	ssyncset.done $0x0;
	vm15 =	vgt.s32 v2, $0x0  }
0x14: {  	[sflag:s8] =	ssyncadd.s32 $0xFFFFF800;
	s15 =	simm.s32 $0x10;
	v2 =	vnsel vm15, $0x0, v2  }
0x15: {  	s18 =	simm.s32 $0x20;
	s20 =	sand.u32 $0xFFFFFF80, s15;
	v2 =	vmin.u32 v2, $0x40;
	v1 =	vld.idx.msk [tilespmem:v1+s3+$0x0], $0xffff  }
0x16: {  	s19 =	simm.s32 $0x3;
	s17 =	sand.u32 $0x70, s18;
	s16 =	simm.s32 $0x2;
	v2 =	vor.u32 s20, v2  }
.LBB2_2:
0x17: {  	p0 =	sne.s32 s19, $0x7F;
	s20 =	sor.u32 s17, s4  }
0x18: {  	s21 =	sand.u32 $0x3FFFFF80, s14;
	s14 =	smov.u32 s15;
	s20 =	ssub.s32 $0x81F, s20  }
.Ltmp0:
0x19: {  	s15 =	sor.u32 s12, s21;
	s12 =	smov.u32 s13;
	v3 =	vadd.s32 s20, v0;
	(pc) =	sbr.rel @p0 .LBB2_2-.Ltmp0, $4  }
0x1a: {  	s13 =	smov.u32 s17;
	vm0 =	vgt.s32 v3, $0x0;
	[tilespmem:s15+$0x800] =	vst v1  }
0x1b: {  	s15 =	sshll.u32 s16, $0x4;
	s16 =	smov.u32 s19;
	v3 =	vnsel vm0, $0x0, v3;
	v1 =	vld.idx.msk [tilespmem:v2+s3+$0x0], $0xffff  }
0x1c: {  	s18 =	sadd.s32 $0x10, s18;
	s20 =	sand.u32 $0xFFFFFF80, s15;
	v2 =	vmin.u32 v3, $0x40  }
0x1d: {  	s17 =	sand.u32 $0x70, s18;
	s19 =	sadd.s32 $0x1, s19;
	v2 =	vor.u32 s20, v2  }
0x1e: {  	s18 =	sor.u32 s17, s4  }
0x1f: {  	s18 =	ssub.s32 $0x81F, s18  }
0x20: {  	s14 =	sand.u32 $0x3FFFFF80, s14;
	v3 =	vadd.s32 s18, v0  }
0x21: {  	s12 =	sor.u32 s12, s14;
	vm0 =	vgt.s32 v3, $0x0  }
0x22: {  	s29 =	sshll.u32 s16, $0x4;
	[tilespmem:s12+$0x800] =	vst v1;
	v1 =	vnsel vm0, $0x0, v3  }
0x23: {  	s30 =	sand.u32 $0xFFFFFF80, s29;
	v2 =	vld.idx.msk [tilespmem:v2+s3+$0x0], $0xffff;
	v1 =	vmin.u32 v1, $0x40  }
0x24: {  	v1 =	vor.u32 s30, v1;
	_ =	sdelay $0x1  }
0x25: {  	s31 =	sand.u32 $0x3FFFFF80, s15  }
0x26: {  	s13 =	sor.u32 s13, s31  }
0x27: {  	[tilespmem:s13+$0x800] =	vst v2  }
0x28: {  	v1 =	vld.idx.msk [tilespmem:v1+s3+$0x0], $0xffff;
	_ =	sdelay $0x2  }
0x29: {  	s12 =	sand.u32 $0x3FFFFF80, s29  }
0x2a: {  	s12 =	sor.u32 s17, s12  }
0x2b: {  	[tilespmem:s12+$0x800] =	vst v1  }
0x2c: {  	[hbm4b:s5+s3] =	stream.linear.scatter [tilespmem:s9], [sflag:$0x1], $0x400, $0x38;
	[tilespmem:$0x1000] =	vst v63  }
0x2d: {  	s11 =	sadd.s32 $0x1, s11;
	_ =	swait.ge [sflag:s8], $0x400  }
0x2e: {  	p0 =	sne.s32 s11, s7;
	[sflag:s8] =	ssyncset.done $0x0  }
.Ltmp1:
0x2f: {  	[sflag:s8] =	ssyncadd.s32 $0xFFFFFC00;
	(pc) =	sbr.rel @p0 .LBB2_1-.Ltmp1, $4  }
0x30: {  	[hbm4b:s6+s3] =	stream.linear.scatter [tilespmem:s10], [sflag:$0x1], $0x400, $0x38;
	[tilespmem:$0x1000] =	vst v63  }
0x31: {  	_ =	swait.ge [sflag:s8], $0x400  }
0x32: {  	[sflag:s8] =	ssyncset.done $0x0  }
0x33: {  	[sflag:s8] =	ssyncadd.s32 $0xFFFFFC00  }
0x34: {  	_ =	sfence.sel $0x180000  }
0x35: {  	[bflag:$0x0] =	sbarrier.arrive $0xFFFF  }
0x36: {  	p0 =	sne.s32 s1, $0x0;
	_ =	strace $0x90000047  }
0x37: {  	s0 =	sadd.s32 @!p0 $0x100000, s0;
	[bflag:$0x2] =	sbarrier.arrive $0xFFFF  }
0x38: {  	[sflag:s0] =	ssyncadd.tile.s32 @!p0 $0x1;
	_ =	shalt  }
.Lfunc_end2:
_tile_overlayer_lowered:
.L_overlay_start_2:
0x39: {  	(tag) =	ssettag $0x2  }
0x3a: {  	s0 =	rddreg [dreg:$0x0];
	s2 =	stileid.u32  }
0x3b: {  	s1 =	rddreg [dreg:$0x1];
	p0 =	sne.s32 s2, $0x0  }
0x3c: {  	s3 =	rddreg [dreg:$0x2];
	[bflag:$0x3] =	sbarrier.arrive $0xFFFF;
	s2 =	simm.s32 @!p0 $0x1C01  }
0x3d: {  	[timem:s3], [sflag:s2] =	dma.local @!p0 [hbm:s0], s1  }
0x3e: {  	s0 =	simm.s32 @!p0 $0x1  }
0x3f: {  	_ =	swait.ge @!p0 [sflag:s0], s1  }
0x40: {  	s1 =	ssub.s32 @!p0 $0x0, s1;
	[sflag:s0] =	ssyncset.done @!p0 $0x0  }
0x41: {  	[sflag:s0] =	ssyncadd.s32 @!p0 s1  }
0x42: {  	[bflag:$0x3] =	sbarrier.arrive $0xFFFF  }
0x43: {  	_ =	shalt  }

</sc_bundles>
